<compile_context>
chip_gen: v7x
topology: tpu7x:2x2x1
jax: 0.10.2.dev20260603
libtpu: 0.0.44.dev20260713+nightly
codegen_flags: <defaults>
</compile_context>

<pallas_src>
import jax
import jax.numpy as jnp
from jax.experimental import pallas as pl

_H = 512
_W = 512


def _proj_body(xt_ref, k_ref, ind_ref, w_ref):
    x0 = xt_ref[0:1, :]
    x1 = xt_ref[1:2, :]
    x2 = xt_ref[2:3, :]
    px = ((x0 / x2).astype(jnp.bfloat16)).astype(jnp.float32)
    py = ((x1 / x2).astype(jnp.bfloat16)).astype(jnp.float32)
    kb = k_ref[...].astype(jnp.bfloat16).astype(jnp.float32)
    u = jnp.round(kb[0, 0] * px + kb[0, 1] * py + kb[0, 2]).astype(jnp.int32)
    v = jnp.round(kb[1, 0] * px + kb[1, 1] * py + kb[1, 2]).astype(jnp.int32)
    cond = (u > 0) & (u < _W) & (v > 0) & (v < _H) & (x2 > 0.0)
    ind = u + v * _H
    ind_ref[...] = jnp.where(cond, ind, 0)
    w_ref[...] = cond.astype(jnp.float32)


def _project(xf, K):
    B, N, _ = xf.shape
    xt = xf.reshape(B * N, 3).T
    nblk = 16
    blk = (B * N) // nblk
    ind, w = pl.pallas_call(
        _proj_body,
        grid=(nblk,),
        in_specs=[
            pl.BlockSpec((3, blk), lambda i: (0, i)),
            pl.BlockSpec((3, 3), lambda i: (0, 0)),
        ],
        out_specs=(
            pl.BlockSpec((1, blk), lambda i: (0, i)),
            pl.BlockSpec((1, blk), lambda i: (0, i)),
        ),
        out_shape=(
            jax.ShapeDtypeStruct((1, B * N), jnp.int32),
            jax.ShapeDtypeStruct((1, B * N), jnp.float32),
        ),
    )(xt, K)
    return ind.reshape(B, N), w.reshape(B, N)


def kernel(x, c, K):
    orig_batch = x.shape[:-2]
    xf = x.reshape(-1, x.shape[-2], x.shape[-1])
    cf = c.reshape(-1, c.shape[-2], c.shape[-1])
    B, N, _ = xf.shape
    kch = cf.shape[-1]

    ind, w = _project(xf, K)

    flat_ind = (ind + jnp.arange(B, dtype=jnp.int32)[:, None] * (_H * _W)).reshape(-1)
    vals = (cf * w[..., None]).reshape(-1, kch)
    img = jnp.zeros((B * _H * _W, kch), dtype=cf.dtype).at[flat_ind].add(vals)
    acc = jnp.zeros((B * _H * _W,), dtype=cf.dtype).at[flat_ind].add(w.reshape(-1))
    acc = jnp.where(acc == 0, jnp.ones_like(acc), acc)
    img = img / acc[:, None]
    img = img.reshape(B, _H, _W, kch).transpose(0, 3, 1, 2)
    return img.reshape(*orig_batch, kch, _H, _W)

# --- scband reference (transcript-rebuilt; emitter-appended) ---
"""Pipeline reference for scband-point-to-pixel-4346506903732 (READ-ONLY COPY).

The authoritative reference and input builder live on the scoring server;
editing this copy changes nothing except your own understanding.
"""

import jax, jax.numpy as jnp
import numpy as np

H = 512
W = 512

def setup_inputs(seed: int = 0) -> dict:
    key = jax.random.key(seed)
    k1, k2 = jax.random.split(key)
    x = jax.random.normal(k1, (4, 65536, 3), dtype=jnp.float32)
    c = jax.random.normal(k2, (4, 65536, 16), dtype=jnp.float32)
    K = jnp.array([[128.0, 0.0, 256.0], [0.0, 128.0, 256.0], [0.0, 0.0, 1.0]], dtype=jnp.float32)
    return {"x": x, "c": c, "K": K}

def _forward(x, c, K):
    orig_batch = x.shape[:-2]
    xf = x.reshape(-1, x.shape[-2], x.shape[-1])
    cf = c.reshape(-1, c.shape[-2], c.shape[-1])
    B = xf.shape[0]
    kch = cf.shape[-1]
    # perspective projection (division by z stays on the float path, faithful to torch)
    Kx = xf / xf[..., 2:3]
    Kx = Kx @ K.T
    # torch .round().long() detaches; replicate with stop_gradient + int cast
    Kxi = jax.lax.stop_gradient(jnp.round(Kx)).astype(jnp.int32)
    cond_w = (Kxi[..., 0] > 0) & (Kxi[..., 0] < W)
    cond_h = (Kxi[..., 1] > 0) & (Kxi[..., 1] < H)
    cond_front = xf[..., 2] > 0
    cond = cond_w & cond_h & cond_front
    # faithful to original: ind = x_pix + y_pix * H (H == W here)
    ind = Kxi[..., 0] + Kxi[..., 1] * H
    ind = jnp.where(cond, ind, 0)  # invalid points dumped at index 0 with zero weight
    w = cond.astype(cf.dtype)
    flat_ind = (ind + jnp.arange(B, dtype=jnp.int32)[:, None] * (H * W)).reshape(-1)
    vals = (cf * w[..., None]).reshape(-1, kch)
    img = jnp.zeros((B * H * W, kch), dtype=cf.dtype).at[flat_ind].add(vals)
    acc = jnp.zeros((B * H * W,), dtype=cf.dtype).at[flat_ind].add(w.reshape(-1))
    acc = jnp.where(acc == 0, jnp.ones_like(acc), acc)
    img = img / acc[:, None]
    img = img.reshape(B, H, W, kch).transpose(0, 3, 1, 2)
    return img.reshape(*orig_batch, kch, H, W)

def reference(x, c, K):
    return _forward(x, c, K)

if __name__ == "__main__":
    import jax
    _d = setup_inputs()
    print(jax.jit(kernel)(*tuple(_d.values())))

</pallas_src>

<mosaic_0001>
module attributes {stable_mosaic.version = 14 : i64} {
  func.func @_proj_body(%arg0: i32, %arg1: memref<3x16384xf32, #tpu.memory_space<vmem>>, %arg2: memref<3x3xf32, #tpu.memory_space<vmem>>, %arg3: memref<1x16384xi32, #tpu.memory_space<vmem>>, %arg4: memref<1x16384xf32, #tpu.memory_space<vmem>>) attributes {dimension_semantics = [#tpu.dimension_semantics<arbitrary>], iteration_bounds = array<i64: 16>, scalar_prefetch = 0 : i64, scratch_operands = 0 : i64, tpu.core_type = #tpu.core_type<tc>, window_params = [{transform_indices = @transform_0, window_bounds = array<i64: 3, 16384>}, {pipeline_mode = #tpu.pipeline_mode<synchronous>, transform_indices = @transform_1, window_bounds = array<i64: 3, 3>}, {transform_indices = @transform_2, window_bounds = array<i64: 1, 16384>}, {transform_indices = @transform_3, window_bounds = array<i64: 1, 16384>}]} {
    %get3A = arith.constant 0 : index
    %get3A_0 = arith.constant 0 : index
    %get3A_1 = vector.load %arg1[%get3A, %get3A_0] : memref<3x16384xf32, #tpu.memory_space<vmem>>, vector<1x16384xf32>
    %get3A_2 = arith.constant 1 : index
    %get3A_3 = arith.constant 0 : index
    %get3A_4 = vector.load %arg1[%get3A_2, %get3A_3] : memref<3x16384xf32, #tpu.memory_space<vmem>>, vector<1x16384xf32>
    %get3A_5 = arith.constant 2 : index
    %get3A_6 = arith.constant 0 : index
    %get3A_7 = vector.load %arg1[%get3A_5, %get3A_6] : memref<3x16384xf32, #tpu.memory_space<vmem>>, vector<1x16384xf32>
    %div3A = arith.divf %get3A_1, %get3A_7 : vector<1x16384xf32>
    %convert_element_type3A = arith.truncf %div3A : vector<1x16384xf32> to vector<1x16384xbf16>
    %convert_element_type3A_8 = arith.extf %convert_element_type3A : vector<1x16384xbf16> to vector<1x16384xf32>
    %div3A_9 = arith.divf %get3A_4, %get3A_7 : vector<1x16384xf32>
    %convert_element_type3A_10 = arith.truncf %div3A_9 : vector<1x16384xf32> to vector<1x16384xbf16>
    %convert_element_type3A_11 = arith.extf %convert_element_type3A_10 : vector<1x16384xbf16> to vector<1x16384xf32>
    %get3A_12 = arith.constant 0 : index
    %get3A_13 = arith.constant 0 : index
    %get3A_14 = vector.load %arg2[%get3A_12, %get3A_13] : memref<3x3xf32, #tpu.memory_space<vmem>>, vector<3x3xf32>
    %convert_element_type3A_15 = arith.truncf %get3A_14 : vector<3x3xf32> to vector<3x3xbf16>
    %convert_element_type3A_16 = arith.extf %convert_element_type3A_15 : vector<3x3xbf16> to vector<3x3xf32>
    %slice3A = vector.extract_strided_slice %convert_element_type3A_16 {offsets = [0, 0], sizes = [1, 1], strides = [1, 1]} : vector<3x3xf32> to vector<1x1xf32>
    %squeeze3A = vector.extract %slice3A[0, 0] : f32 from vector<1x1xf32>
    %mul3A = vector.broadcast %squeeze3A : f32 to vector<1x16384xf32>
    %mul3A_17 = arith.mulf %mul3A, %convert_element_type3A_8 : vector<1x16384xf32>
    %slice3A_18 = vector.extract_strided_slice %convert_element_type3A_16 {offsets = [0, 1], sizes = [1, 1], strides = [1, 1]} : vector<3x3xf32> to vector<1x1xf32>
    %squeeze3A_19 = vector.extract %slice3A_18[0, 0] : f32 from vector<1x1xf32>
    %mul3A_20 = vector.broadcast %squeeze3A_19 : f32 to vector<1x16384xf32>
    %mul3A_21 = arith.mulf %mul3A_20, %convert_element_type3A_11 : vector<1x16384xf32>
    %add3A = arith.addf %mul3A_17, %mul3A_21 : vector<1x16384xf32>
    %slice3A_22 = vector.extract_strided_slice %convert_element_type3A_16 {offsets = [0, 2], sizes = [1, 1], strides = [1, 1]} : vector<3x3xf32> to vector<1x1xf32>
    %squeeze3A_23 = vector.extract %slice3A_22[0, 0] : f32 from vector<1x1xf32>
    %add3A_24 = vector.broadcast %squeeze3A_23 : f32 to vector<1x16384xf32>
    %add3A_25 = arith.addf %add3A, %add3A_24 : vector<1x16384xf32>
    %round3A = math.roundeven %add3A_25 : vector<1x16384xf32>
    %convert_element_type3A_26 = arith.fptosi %round3A : vector<1x16384xf32> to vector<1x16384xi32>
    %slice3A_27 = vector.extract_strided_slice %convert_element_type3A_16 {offsets = [1, 0], sizes = [1, 1], strides = [1, 1]} : vector<3x3xf32> to vector<1x1xf32>
    %squeeze3A_28 = vector.extract %slice3A_27[0, 0] : f32 from vector<1x1xf32>
    %mul3A_29 = vector.broadcast %squeeze3A_28 : f32 to vector<1x16384xf32>
    %mul3A_30 = arith.mulf %mul3A_29, %convert_element_type3A_8 : vector<1x16384xf32>
    %slice3A_31 = vector.extract_strided_slice %convert_element_type3A_16 {offsets = [1, 1], sizes = [1, 1], strides = [1, 1]} : vector<3x3xf32> to vector<1x1xf32>
    %squeeze3A_32 = vector.extract %slice3A_31[0, 0] : f32 from vector<1x1xf32>
    %mul3A_33 = vector.broadcast %squeeze3A_32 : f32 to vector<1x16384xf32>
    %mul3A_34 = arith.mulf %mul3A_33, %convert_element_type3A_11 : vector<1x16384xf32>
    %add3A_35 = arith.addf %mul3A_30, %mul3A_34 : vector<1x16384xf32>
    %slice3A_36 = vector.extract_strided_slice %convert_element_type3A_16 {offsets = [1, 2], sizes = [1, 1], strides = [1, 1]} : vector<3x3xf32> to vector<1x1xf32>
    %squeeze3A_37 = vector.extract %slice3A_36[0, 0] : f32 from vector<1x1xf32>
    %add3A_38 = vector.broadcast %squeeze3A_37 : f32 to vector<1x16384xf32>
    %add3A_39 = arith.addf %add3A_35, %add3A_38 : vector<1x16384xf32>
    %round3A_40 = math.roundeven %add3A_39 : vector<1x16384xf32>
    %convert_element_type3A_41 = arith.fptosi %round3A_40 : vector<1x16384xf32> to vector<1x16384xi32>
    %gt3A = arith.constant 0 : i32
    %gt3A_42 = vector.broadcast %gt3A : i32 to vector<1x16384xi32>
    %gt3A_43 = arith.cmpi sgt, %convert_element_type3A_26, %gt3A_42 : vector<1x16384xi32>
    %lt3A = arith.constant 512 : i32
    %lt3A_44 = vector.broadcast %lt3A : i32 to vector<1x16384xi32>
    %lt3A_45 = arith.cmpi slt, %convert_element_type3A_26, %lt3A_44 : vector<1x16384xi32>
    %and3A = arith.andi %gt3A_43, %lt3A_45 : vector<1x16384xi1>
    %gt3A_46 = arith.constant 0 : i32
    %gt3A_47 = vector.broadcast %gt3A_46 : i32 to vector<1x16384xi32>
    %gt3A_48 = arith.cmpi sgt, %convert_element_type3A_41, %gt3A_47 : vector<1x16384xi32>
    %and3A_49 = arith.andi %and3A, %gt3A_48 : vector<1x16384xi1>
    %lt3A_50 = arith.constant 512 : i32
    %lt3A_51 = vector.broadcast %lt3A_50 : i32 to vector<1x16384xi32>
    %lt3A_52 = arith.cmpi slt, %convert_element_type3A_41, %lt3A_51 : vector<1x16384xi32>
    %and3A_53 = arith.andi %and3A_49, %lt3A_52 : vector<1x16384xi1>
    %gt3A_54 = arith.constant 0.000000e+00 : f32
    %gt3A_55 = vector.broadcast %gt3A_54 : f32 to vector<1x16384xf32>
    %gt3A_56 = arith.cmpf ogt, %get3A_7, %gt3A_55 : vector<1x16384xf32>
    %and3A_57 = arith.andi %and3A_53, %gt3A_56 : vector<1x16384xi1>
    %mul3A_58 = arith.constant 512 : i32
    %mul3A_59 = vector.broadcast %mul3A_58 : i32 to vector<1x16384xi32>
    %mul3A_60 = arith.muli %convert_element_type3A_41, %mul3A_59 : vector<1x16384xi32>
    %add3A_61 = arith.addi %convert_element_type3A_26, %mul3A_60 : vector<1x16384xi32>
    %jit3A = arith.constant 0 : i32
    %broadcast_in_dim3A = vector.broadcast %jit3A : i32 to vector<1x16384xi32>
    %select_n3A = arith.select %and3A_57, %add3A_61, %broadcast_in_dim3A : vector<1x16384xi1>, vector<1x16384xi32>
    %swap3A = arith.constant 0 : index
    %swap3A_62 = arith.constant 0 : index
    %swap3A_63 = vector.load %arg3[%swap3A, %swap3A_62] : memref<1x16384xi32, #tpu.memory_space<vmem>>, vector<1x16384xi32>
    tpu.vector_store %arg3[%swap3A, %swap3A_62], %select_n3A {strides = array<i32>} : memref<1x16384xi32, #tpu.memory_space<vmem>>, vector<1x16384xi32>,
    %convert_element_type3A_64 = arith.extui %and3A_57 : vector<1x16384xi1> to vector<1x16384xi32>
    %convert_element_type3A_65 = arith.sitofp %convert_element_type3A_64 : vector<1x16384xi32> to vector<1x16384xf32>
    %swap3A_66 = arith.constant 0 : index
    %swap3A_67 = arith.constant 0 : index
    %swap3A_68 = vector.load %arg4[%swap3A_66, %swap3A_67] : memref<1x16384xf32, #tpu.memory_space<vmem>>, vector<1x16384xf32>
    tpu.vector_store %arg4[%swap3A_66, %swap3A_67], %convert_element_type3A_65 {strides = array<i32>} : memref<1x16384xf32, #tpu.memory_space<vmem>>, vector<1x16384xf32>,
    return
  }
  func.func @transform_0(%arg0: i32) -> (i32, i32) {
    %c0_i32 = arith.constant 0 : i32
    %c0_i32_0 = arith.constant 0 : i32
    return %c0_i32, %arg0 : i32, i32
  }
  func.func @transform_1(%arg0: i32) -> (i32, i32) {
    %c0_i32 = arith.constant 0 : i32
    %c0_i32_0 = arith.constant 0 : i32
    %c0_i32_1 = arith.constant 0 : i32
    return %c0_i32, %c0_i32_0 : i32, i32
  }
  func.func @transform_2(%arg0: i32) -> (i32, i32) {
    %c0_i32 = arith.constant 0 : i32
    %c0_i32_0 = arith.constant 0 : i32
    return %c0_i32, %arg0 : i32, i32
  }
  func.func @transform_3(%arg0: i32) -> (i32, i32) {
    %c0_i32 = arith.constant 0 : i32
    %c0_i32_0 = arith.constant 0 : i32
    return %c0_i32, %arg0 : i32, i32
  }
}

</mosaic_0001>

<sc_bundles>
// kernel: scatter_offload_async_start.1
scs
__scs_entry_jumppad:
0x0: {  	(pc) =	sbr.rel $0x88, $3  }
0x1: {  	(tag) =	ssettag $0x0;
	lr =	simm.s32 $0x1  }
0x2: {  	[smem:$0x3F9E] =	sst lr;
	_ =	strace $0xD0000000  }
0x3: {  	_ = 	snop  }
0x4: {  	_ = 	snop  }
0x5: {  	_ = 	snop  }
0x6: {  	_ = 	snop  }
0x7: {  	_ = 	snop  }
__scs_overlays_trampoline_lowered:
0x8: {  	[smem:$0x3FAD] =	sst s0  }
0x9: {  	[smem:$0x3FAE] =	sst s1  }
0xa: {  	[smem:$0x3FAF] =	sst s2  }
0xb: {  	[smem:$0x3FB0] =	sst s3  }
0xc: {  	[smem:$0x3FB1] =	sst s4  }
0xd: {  	[smem:$0x3FB2] =	sst s5  }
0xe: {  	[smem:$0x3FB3] =	sst s6  }
0xf: {  	[smem:$0x3FB4] =	sst s7  }
0x10: {  	[smem:$0x3FB5] =	sst s8  }
0x11: {  	[smem:$0x3FB6] =	sst s9;
	s0 =	simm.s32 @!p0 $0x0  }
0x12: {  	s1 =	sld [smem:$0x3F9C];
	s0 =	simm.s32 @p0 $0x1  }
0x13: {  	[smem:$0x3FB7] =	sst s0;
	s0 =	simm.s32 @!p1 $0x0  }
0x14: {  	s2 =	sld [smem:$0x3F9B];
	s0 =	simm.s32 @p1 $0x1  }
0x15: {  	[smem:$0x3FB8] =	sst s0;
	s0 =	simm.s32 @!p2 $0x0  }
0x16: {  	s3 =	sld [smem:$0x3FDB];
	s0 =	simm.s32 @p2 $0x1  }
0x17: {  	s4 =	simm.s32 $0x1BF5;
	[smem:$0x3FBA] =	sst s0  }
0x18: {  	s0 =	sld [smem:$0x3F9D];
	_ =	swait.ge [sflag:s4], $0x0  }
0x19: {  	s7 =	sld [smem:$0x3F9E]  }
0x1a: {  	s8 =	sadd.s32 $0xFFFFE003, lr  }
0x1b: {  	s9 =	sadd.s32 $0xFFFFFEF7, lr;
	s5 =	simm.s32 $0xFFFFFFFF;
	p2 =	slt.u32 s8, $0xFFFFF086  }
0x1c: {  	p1 =	slt.u32 s9, $0xF7A;
	s5 =	simm.s32 @!p2 $0x0  }
0x1d: {  	s5 =	simm.s32 @p1 $0x1;
	p0 =	seq.s32 s7, s2  }
0x1e: {  	s7 =	smul.u32 @!p0 $0xF7A, s2;
	p2 =	seq.s32 @!p0 s5, $0x0  }
0x1f: {  	s9 =	smul.u32 $0xF7A, s1;
	s8 =	simm.s32 @!p0 $0x1BF5;
	p2 =	por !p2, p0  }
0x20: {  	[sflag:s8] =	ssyncset.s32 @!p0 $0xFFFFF086;
	s6 =	sadd.s32 @!p0 s3, s7;
	s7 =	simm.s32 @!p0 $0x108  }
0x21: {  	s3 =	sadd.s32 s3, s9;
	s6 =	sadd.s32 @!p0 $0x88, s6;
	s7 =	simm.s32 @p2 $0x1082  }
0x22: {  	[simem:s7], [sflag:s8] =	dma.local @!p0 [hbm:s6], $0xF7A  }
0x23: {  	s9 =	sor.u32 $0xD0000000, s2;
	s6 =	simm.s32 $0x108;
	_ =	swait.ge @!p0 [sflag:s8], $0x0  }
0x24: {  	s3 =	sadd.s32 $0x88, s3;
	s6 =	simm.s32 @!p1 $0x1082;
	[sflag:s4] =	ssyncset.s32 $0xFFFFF086  }
0x25: {  	[simem:s6], [sflag:s4] =	dma.local [hbm:s3], $0xF7A  }
0x26: {  	[smem:$0x3F9E] =	sst s1;
	(tag) =	ssettag s2;
	_ =	strace s9  }
0x27: {  	s1 =	sld [smem:$0x3FAE]  }
0x28: {  	s2 =	sld [smem:$0x3FAF]  }
0x29: {  	s4 =	sld [smem:$0x3FB1]  }
0x2a: {  	p0 =	seq.s32 s5, $0x0;
	s5 =	sld [smem:$0x3FB2]  }
0x2b: {  	s6 =	sld [smem:$0x3FB3]  }
0x2c: {  	s7 =	sld [smem:$0x3FB4]  }
0x2d: {  	s3 =	simm.s32 $0x108;
	s8 =	sld [smem:$0x3FB5]  }
0x2e: {  	s3 =	simm.s32 @!p0 $0x1082;
	s9 =	sld [smem:$0x3FB6]  }
0x2f: {  	lr =	sadd.s32 s0, s3;
	s0 =	sld [smem:$0x3FAD]  }
0x30: {  	s3 =	sld [smem:$0x3FB0]  }
0x31: {  	[smem:$0x3FB9] =	sst s10  }
0x32: {  	s10 =	sld [smem:$0x3FB7];
	_ =	sdelay $0x3  }
0x33: {  	p0 =	seq.s32 s10, $0x1;
	s10 =	sld [smem:$0x3FB9];
	_ =	sdelay $0x3  }
0x34: {  	[smem:$0x3FB9] =	sst s10  }
0x35: {  	s10 =	sld [smem:$0x3FB8];
	_ =	sdelay $0x3  }
0x36: {  	p1 =	seq.s32 s10, $0x1;
	s10 =	sld [smem:$0x3FB9];
	_ =	sdelay $0x3  }
0x37: {  	[smem:$0x3FB9] =	sst s10  }
0x38: {  	s10 =	sld [smem:$0x3FBA]  }
0x39: {  	_ = 	snop;
	(pc) =	sbr.ind lr, $3  }
0x3a: {  	_ = 	snop  }
0x3b: {  	_ = 	snop  }
0x3c: {  	p2 =	seq.s32 s10, $0x1;
	s10 =	sld [smem:$0x3FB9]  }
0x3d: {  	_ =	shalt  }
0x3e: {  	_ =	shalt  }
0x3f: {  	_ =	shalt  }
0x40: {  	_ =	shalt  }
0x41: {  	_ =	shalt  }
0x42: {  	_ =	shalt  }
0x43: {  	_ =	shalt  }
0x44: {  	_ =	shalt  }
0x45: {  	_ =	shalt  }
0x46: {  	_ =	shalt  }
0x47: {  	_ =	shalt  }
0x48: {  	_ =	shalt  }
0x49: {  	_ =	shalt  }
0x4a: {  	_ =	shalt  }
0x4b: {  	_ =	shalt  }
0x4c: {  	_ =	shalt  }
0x4d: {  	_ =	shalt  }
0x4e: {  	_ =	shalt  }
0x4f: {  	_ =	shalt  }
0x50: {  	_ =	shalt  }
0x51: {  	_ =	shalt  }
0x52: {  	_ =	shalt  }
0x53: {  	_ =	shalt  }
0x54: {  	_ =	shalt  }
0x55: {  	_ =	shalt  }
0x56: {  	_ =	shalt  }
0x57: {  	_ =	shalt  }
0x58: {  	_ =	shalt  }
0x59: {  	_ =	shalt  }
0x5a: {  	_ =	shalt  }
0x5b: {  	_ =	shalt  }
0x5c: {  	_ =	shalt  }
0x5d: {  	_ =	shalt  }
0x5e: {  	_ =	shalt  }
0x5f: {  	_ =	shalt  }
0x60: {  	_ =	shalt  }
0x61: {  	_ =	shalt  }
0x62: {  	_ =	shalt  }
0x63: {  	_ =	shalt  }
0x64: {  	_ =	shalt  }
0x65: {  	_ =	shalt  }
0x66: {  	_ =	shalt  }
0x67: {  	_ =	shalt  }
0x68: {  	_ =	shalt  }
0x69: {  	_ =	shalt  }
0x6a: {  	_ =	shalt  }
0x6b: {  	_ =	shalt  }
0x6c: {  	_ =	shalt  }
0x6d: {  	_ =	shalt  }
0x6e: {  	_ =	shalt  }
0x6f: {  	_ =	shalt  }
0x70: {  	_ =	shalt  }
0x71: {  	_ =	shalt  }
0x72: {  	_ =	shalt  }
0x73: {  	_ =	shalt  }
0x74: {  	_ =	shalt  }
0x75: {  	_ =	shalt  }
0x76: {  	_ =	shalt  }
0x77: {  	_ =	shalt  }
0x78: {  	_ =	shalt  }
0x79: {  	_ =	shalt  }
0x7a: {  	_ =	shalt  }
0x7b: {  	_ =	shalt  }
0x7c: {  	_ =	shalt  }
0x7d: {  	_ =	shalt  }
0x7e: {  	_ =	shalt  }
0x7f: {  	_ =	shalt  }
0x80: {  	_ =	shalt  }
0x81: {  	_ =	shalt  }
0x82: {  	_ =	shalt  }
0x83: {  	_ =	shalt  }
0x84: {  	_ =	shalt  }
0x85: {  	_ =	shalt  }
0x86: {  	_ =	shalt  }
0x87: {  	_ =	shalt  }
.Lfunc_end0:
.L_simem_size_0:
called_computation.1_lowered:
.L_overlay_start_0:
0x88: {  	s0 =	sld [smem:$0x3FD9]  }
0x89: {  	s1 =	sld [smem:$0x3FFE];
	_ =	sdelay $0x3  }
0x8a: {  	s0 =	sadd.s32 s1, s0  }
0x8b: {  	[smem:$0x3FC5] =	sst s0  }
0x8c: {  	_ = 	snop  }
0x8d: {  	(tm) =	ssettm $0x1  }
0x8e: {  	s15 =	sld [smem:$0x3FFB];
	_ =	sdelay $0x3  }
0x8f: {  	_ =	strace s15  }
0x90: {  	s0 =	sld [smem:$0x3FFC];
	_ =	sdelay $0x3  }
0x91: {  	_ =	strace s0  }
0x92: {  	s0 =	sld [smem:$0x3FFD];
	_ =	sdelay $0x3  }
0x93: {  	_ =	strace s0  }
0x94: {  	_ =	strace $0x8FFFFFFF  }
0x95: {  	s16 =	sld [smem:$0x3FDB];
	_ =	sdelay $0x1  }
0x96: {  	s17 =	simm.s32 $_scs_section_size  }
0x97: {  	s2 =	simm.s32 $_size__tile_overlayer_lowered;
	s3 =	simm.s32 $_tile_overlayer_lowered  }
0x98: {  	s20 =	simm.s32 $0x1BFF;
	s19 =	sshll.u32 s3, $0x1;
	s0 =	sadd.s32 s17, s16  }
0x99: {  	s4 =	simm.s32 $0x0;
	s18 =	sshll.u32 s2, $0x1;
	s2 =	sadd.s32 s19, s0  }
0x9a: {  	[timem:s4], [sflag:s20] =	dma.local [hbm:s2], s18  }
0x9b: {  	_ =	swait.ge [sflag:s20], s18  }
0x9c: {  	s1 =	ssub.s32 $0x0, s18;
	[sflag:s20] =	ssyncset.done $0x0  }
0x9d: {  	[sflag:s20] =	ssyncadd.s32 s1;
	_ =	sdelay $0x1  }
0x9e: {  	s21 =	simm.s32 $0x1B8B  }
0x9f: {  	_ =	swait.ge [sflag:s21], $0x1  }
0xa0: {  	[sflag:s21] =	ssyncset.done $0x0  }
0xa1: {  	s23 =	simm.s32 $0x1B8E;
	s22 =	sld [smem:$0x3FFE];
	[sflag:s21] =	ssyncadd.s32 $0xFFFFFFFF  }
0xa2: {  	s24 =	simm.s32 $execute0_lowered;
	[smem:$0x3FD2] =	sst s23  }
0xa3: {  	s2 =	sshll.u32 s24, $0x1;
	_ =	strace $0x80000049;
	[dreg:$0x1] =	wrdreg $0xFFFFFFFF  }
0xa4: {  	s25 =	simm.s32 $_size_execute0_lowered;
	s0 =	sadd.s32 s0, s2;
	[dreg:$0x0] =	wrdreg $0x0  }
0xa5: {  	s2 =	sshll.u32 s25, $0x1;
	[dreg:$0x2] =	wrdreg s0  }
0xa6: {  	[dreg:$0x3] =	wrdreg s2  }
0xa7: {  	[dreg:$0x4] =	wrdreg $0xC0  }
0xa8: {  	_ =	task [dreg:s4], $0x5FFFF  }
0xa9: {  	[dreg:$0x1] =	wrdreg $0xFFFFFFFF  }
0xaa: {  	[dreg:$0x0] =	wrdreg $0x60  }
0xab: {  	[dreg:$0x2] =	wrdreg s22  }
0xac: {  	[dreg:$0x3] =	wrdreg $0x9  }
0xad: {  	_ =	task.clear_ibuf [dreg:s4], $0x4FFFF;
	_ =	strace $0x90000049  }
0xae: {  	s26 =	simm.s32 $0x9;
	_ =	strace $0x8000004B  }
0xaf: {  	_ =	swait.ge [sflag:s26], $0x1  }
0xb0: {  	[sflag:s26] =	ssyncadd.s32 $0xFFFFFFFF  }
0xb1: {  	_ =	strace $0x9000004B  }
0xb2: {  	_ =	sfence  }
0xb3: {  	s28 =	sld [smem:$0x0];
	_ =	sdelay $0x1  }
0xb4: {  	s29 =	srdreg.scid  }
0xb5: {  	s30 =	sshll.u32 s29, $0xD;
	s31 =	sshrl.u32 s29, $0x2  }
0xb6: {  	s1 =	sand.u32 $0x1, s29;
	s2 =	sand.u32 $0x4000, s30;
	s0 =	sadd.s32 s31, s28  }
0xb7: {  	s1 =	sor.u32 s2, s1;
	s0 =	sshll.u32 s0, $0x11  }
0xb8: {  	s0 =	sor.u32 s0, s1  }
0xb9: {  	s0 =	sadd.s32 $0x8F2B, s0  }
0xba: {  	[sflag:s0] =	ssyncadd.remote.s32 $0x1  }
0xbb: {  	_ =	sfence.sel $0xFFFF  }
0xbc: {  	[dreg:$0x0] =	wrdreg $0xFFFFFFFF;
	(pc) =	sbr.abs _section_cstart, $3  }
0xbd: {  	[dreg:$0x1] =	wrdreg $0xFFFFFFFF  }
0xbe: {  	_ =	task.clear_ibuf [dreg:s4], $0x2FFFF;
	_ =	strace $0x9FFFFFFF  }
0xbf: {  	(tm) =	ssettm $0x7FFFFFFF  }
tec
execute0_lowered:
.L_overlay_start_1:
0x0: {  	(tag) =	ssettag $0x1  }
0x1: {  	s2 =	rddreg [dreg:$0x0];
	_ =	strace $0x8000004A;
	s3 =	simm.s32 $0x1  }
0x2: {  	v1 =	vimm.s32 $0xFFFFFFFF;
	[sflag:s3] =	ssyncpa.u1 $0x0  }
0x3: {  	[tilespmem:$0x10] =	vst v1  }
0x4: {  	v0 =	vimm.f32 $0.0e+00;
	[tilespmem:$0x20] =	vst v1  }
0x5: {  	[tilespmem:$0x30] =	vst v0  }
0x6: {  	[tilespmem:$0x40] =	vst v0  }
0x7: {  	s0 =	simm.s32 $0x2;
	s4 =	stileid.u32;
	[tilespmem:$0x50] =	vst v0  }
0x8: {  	s6 =	simm.s32 $0x7;
	s8 =	simm.s32 $0x8;
	s31 =	simm.s32 $0x9;
	[tilespmem:$0x60] =	vst v1  }
0x9: {  	s14 =	simm.s32 $0x0;
	s15 =	simm.s32 $0x60F0;
	s16 =	simm.s32 $0xF0;
	[tilespmem:$0x70] =	vst v1  }
0xa: {  	p0 =	por $0x0, $0x0;
	s17 =	simm.s32 $0xFFFFC100;
	s18 =	simm.s32 $0xFFFFFFFE;
	[tilespmem:$0x80] =	vst v1  }
0xb: {  	s19 =	simm.s32 $0xF;
	s20 =	simm.s32 $0x30;
	s23 =	simm.s32 $0x0;
	v1 =	vimm.s32 $0x0;
	[tilespmem:$0xB0] =	vst v0  }
.Ltmp0:
0xc: {  	s21 =	simm.s32 $0x0;
	s1 =	sadd.s32 $0x1418000, s2;
	[tilespmem:$0x90] =	vst v1;
	(pc) =	sbr.rel .LBB2_1-.Ltmp0, $4  }
0xd: {  	s5 =	sadd.s32 $0x408000, s2;
	s7 =	sshll.u32 s4, $0xE;
	[tilespmem:$0xA0] =	vst v1;
	[sflag:s0] =	ssyncpa.u1 $0x0  }
0xe: {  	s9 =	sshll.u32 s4, $0x1;
	s12 =	sshllo.u32 s4, $0x1;
	[sflag:s6] =	ssyncpa.u1 $0x0  }
0xf: {  	vm0 =	vmmov $0xffff;
	v2 =	vlaneseq.u32;
	s10 =	sadd.s32 $0x4000, s7;
	s11 =	sor.u32 $0x81, s9;
	[sflag:s8] =	ssyncpa.u1 $0x0  }
0x10: {  	vm1 =	vmxor vm1, vm1;
	vm2 =	vmmov $0x1;
	vm3 =	vcmask $0x3F3C;
	s13 =	sor.u32 $0x80, s9;
	s22 =	smov.u32 s7;
	[sflag:s31] =	ssyncpa.u1 $0x0  }
.LBB2_10:
0x11: {  	p1 =	slt.u32 s21, $0x3  }
0x12: {  	s0 =	simm.s32 @!p1 $0x2  }
0x13: {  	_ =	swait.ge @!p1 [sflag:s0], $0x2000  }
0x14: {  	[sflag:s0] =	ssyncset.done @!p1 $0x0  }
0x15: {  	[sflag:s0] =	ssyncadd.s32 @!p1 $0xFFFFE000;
	s0 =	simm.s32 @!p1 $0x9  }
0x16: {  	_ =	swait.ge @!p1 [sflag:s0], $0x10  }
0x17: {  	s21 =	sadd.s32 $0x1, s21;
	[sflag:s0] =	ssyncset.done @!p1 $0x0  }
0x18: {  	[sflag:s0] =	ssyncadd.s32 @!p1 $0xFFFFFFF0;
	p1 =	sne.s32 s21, $0x5  }
.Ltmp1:
0x19: {  	_ = 	snop;
	(pc) =	sbr.rel @!p1 .LBB2_11-.Ltmp1, $4  }
0x1a: {  	s23 =	sadd.s32 $0x2000, s22;
	s24 =	smov.u32 s7  }
0x1b: {  	s15 =	sadd.s32 $0x2000, s15;
	s16 =	sadd.s32 $0x2000, s16;
	p2 =	slt.s32 s23, s10  }
0x1c: {  	p0 =	por !p0, !p0;
	s17 =	sadd.s32 $0x2000, s17;
	s24 =	smov.u32 @p2 s23  }
0x1d: {  	s18 =	sadd.s32 $0x1, s18;
	s23 =	smov.u32 s22;
	s22 =	smov.u32 s24  }
.LBB2_1:
0x1e: {  	p1 =	sgt.u32 s21, $0x1  }
0x1f: {  	s0 =	sshll.u32 @!p1 s21, $0xD  }
0x20: {  	s24 =	sshrl.u32 @!p1 s22, $0x3;
	s0 =	sand.u32 @!p1 $0x3FFFE000, s0  }
0x21: {  	s25 =	sand.u32 @!p1 $0x7, s22;
	s24 =	sadd.s32 @!p1 s2, s24;
	s0 =	sor.u32 @!p1 $0x100, s0  }
0x22: {  	[tilespmem:s0], [sflag:$0x7] =	stream.linear.gather @!p1 [hbm4b:s24+s25], $0x2000, $0x38;
	[tilespmem:$0x12120] =	vst v63  }
0x23: {  	s0 =	sadd.s32 $0xFFFFFFFF, s21  }
0x24: {  	p1 =	sgt.u32 s0, $0x1  }
.Ltmp2:
0x25: {  	_ = 	snop;
	(pc) =	sbr.rel @p1 .LBB2_5-.Ltmp2, $1  }
0x26: {  	_ =	sdelay $0x3  }
0x27: {  	_ =	swait.ge [sflag:s6], $0x2000;
	s24 =	sshll.u32 s0, $0xD  }
0x28: {  	[sflag:s6] =	ssyncset.done $0x0;
	s0 =	sor.u32 $0x100, s24  }
0x29: {  	[sflag:s6] =	ssyncadd.s32 $0xFFFFE000;
	(ifvalue) =	ssetifvalue $0xFFFFFFFF;
	v3 =	vld.msk [tilespmem:s0+$0x0 ss:$0x1], $0xffff;
	_ =	sdelay $0x2  }
0x2a: {  	p1 =	sne.s32 s21, $0x1  }
0x2b: {  	v4 =	vimm.s32 @!p1 $0x0  }
0x2c: {  	v4 =	vperm.xlane @!p1 v3, v4  }
0x2d: {  	s31 =	sshll.u32 s21, $0x4;
	vm4 =	vlt.u32 v3, $0x100000  }
0x2e: {  	s0 =	sand.u32 $0x10, s31;
	v3 =	vnsel vm4, $0xFFFFFFFE, v3;
	vm4 =	vlt.u32 @!p1 v4, $0x100000  }
0x2f: {  	[tilespmem:s0+$0x60] =	vst v3;
	v3 =	vnsel @!p1 vm4, $0xFFFFFFFE, v4  }
0x30: {  	[tilespmem:$0x80] =	vst @!p1 v3  }
0x31: {  	v3 =	vld.msk [tilespmem:s16+$0x0 ss:$0x1], $0xffff;
	_ =	sdelay $0x4  }
0x32: {  	(xrf1) =	vunique.msk.u32 $0xffff, v3;
	_ =	sdelay $0xd  }
0x33: {  	v4 =	vimm.s32 $0xFFFFFFFF;
	v5, _, _ =	vpop (xrf1)  }
0x34: {  	vm5 =	vne.s32 v3, v4;
	vm4 =	veq.s32 v5, v2  }
0x35: {  	vm6 =	vlt.u32 v3, $0x100000;
	vm4 =	vmand vm5, vm4  }
0x36: {  	vm4 =	vmand vm6, vm4  }
0x37: {  	v4 =	vnsel vm4, $0xFFFFFFFF, v3;
	_ =	sdelay $0x3  }
0x38: {  	(ifvalue) =	ssetifvalue $0xFFFFFFFF  }
0x39: {  	v3 =	vperm.xlane v3, v1;
	[tilespmem:s15], [sflag:$0x8] =	stream.indirect_vreg.gather [hbm4b:s1+s14], $0x1, v4, vm0, $0x4038;
	v4 =	vnsel vm6, $0xFFFFFFFE, v4;
	[tilespmem:$0x12120] =	vst v63  }
0x3a: {  	s25 =	simm.s32 $0x0;
	s26 =	sadd.s32 $0xFFFFFFF0, s16;
	s0 =	smov.u32 s15;
	[tilespmem:s16+$0x0] =	vst v4  }
.LBB2_3:
0x3b: {  	v4 =	vld.msk [tilespmem:s26+$0x0 ss:$0x1], $0xffff;
	s25 =	sadd.s32 $0x10, s25;
	v5 =	vmov v3;
	s28 =	smov.u32 s26  }
0x3c: {  	p1 =	slt.u32 s25, $0x1FF0;
	_ =	sdelay $0x4  }
0x3d: {  	v3 =	vperm.xlane v4, v1;
	(xrf1) =	vunique.msk.u32 $0xffff, v4;
	_ =	sdelay $0xd  }
0x3e: {  	v6, _, _ =	vpop (xrf1)  }
0x3f: {  	vm5 =	vne.s32 v4, v5;
	vm4 =	veq.s32 v6, v2  }
0x40: {  	vm6 =	vlt.u32 v4, $0x100000;
	vm4 =	vmand vm5, vm4  }
0x41: {  	vm4 =	vmand vm6, vm4  }
0x42: {  	v4 =	vnsel vm4, $0xFFFFFFFF, v4  }
.Ltmp3:
0x43: {  	v5 =	vnsel vm6, $0xFFFFFFFE, v4;
	(pc) =	sbr.rel @p1 .LBB2_3-.Ltmp3, $3  }
0x44: {  	_ =	sdelay $0x1  }
0x45: {  	s26 =	sadd.s32 $0xFFFFFFF0, s26;
	s0 =	sadd.s32 $0xFFFFFFF0, s0;
	(ifvalue) =	ssetifvalue $0xFFFFFFFF  }
0x46: {  	[tilespmem:s0], [sflag:$0x8] =	stream.indirect_vreg.gather [hbm4b:s1+s14], $0x1, v4, vm0, $0x4038;
	[tilespmem:s28+$0x0] =	vst v5  }
0x47: {  	s0 =	sshrl.u32 s23, $0x3  }
0x48: {  	s31 =	sadd.s32 $0xA100, s24;
	s0 =	sadd.s32 s5, s0  }
0x49: {  	[tilespmem:s31], [sflag:$0x8] =	stream.linear.gather [hbm:s0], $0x2000, $0x38;
	[tilespmem:$0x12120] =	vst v63  }
.LBB2_5:
0x4a: {  	p1 =	sgt.u32 s21, $0x4  }
.Ltmp4:
0x4b: {  	_ = 	snop;
	(pc) =	sbr.rel @p1 .LBB2_7-.Ltmp4, $1  }
0x4c: {  	_ =	sdelay $0x3  }
0x4d: {  	s0 =	sshll.u32 s3, s21  }
0x4e: {  	s0 =	sand.u32 $0x13, s0  }
0x4f: {  	p1 =	sne.s32 s0, $0x0  }
.Ltmp5:
0x50: {  	_ = 	snop;
	(pc) =	sbr.rel @p1 .LBB2_10-.Ltmp5, $1  }
0x51: {  	_ =	sdelay $0x3  }
.LBB2_7:
0x52: {  	s0 =	sadd.s32 $0xFFFFFFFE, s21  }
0x53: {  	s23 =	smulhi.u32 $0xAAAAAAAB, s0;
	_ =	sdelay $0x1  }
0x54: {  	s23 =	sshrl.u32 s23, $0x1  }
0x55: {  	s23 =	smul.u32 $0x3, s23;
	_ =	sdelay $0x1  }
0x56: {  	_ =	swait.ge [sflag:s8], $0x4000;
	s0 =	ssub.s32 s0, s23  }
0x57: {  	p1 =	sne.s32 s21, $0x3;
	[sflag:s8] =	ssyncset.done $0x0;
	s0 =	sshll.u32 s0, $0xD  }
0x58: {  	[sflag:s8] =	ssyncadd.s32 $0xFFFFC000;
	s23 =	sadd.s32 @!p1 $0x20FF, s0  }
0x59: {  	[spmem:s11] =	stream.linear.scatter @!p1 [tilespmem:s23], [sflag:$0x1], $0x1, $0x38;
	[tilespmem:$0x12120] =	vst v63  }
0x5a: {  	s23 =	simm.s32 @!p1 $0x1  }
0x5b: {  	_ =	swait.ge @!p1 [sflag:s23], $0x1  }
0x5c: {  	s24 =	sshll.u32 s21, $0x4;
	[sflag:s23] =	ssyncset.done @!p1 $0x0  }
0x5d: {  	[sflag:s23] =	ssyncadd.s32 @!p1 $0xFFFFFFFF;
	s23 =	sand.u32 $0x10, s24  }
0x5e: {  	v4 =	vld [tilespmem:s23+$0x10];
	s29 =	sxor.u32 $0x10, s23  }
0x5f: {  	v5 =	vld [tilespmem:s29+$0x60]  }
0x60: {  	v3 =	vld [tilespmem:$0x80];
	_ =	sdelay $0x2  }
0x61: {  	(v2sf) =	vpush v4, $0x0  }
0x62: {  	(v2sf) =	vpush v5, $0x0  }
0x63: {  	(v2sf) =	vpush v3, $0x0;
	_ =	sdelay $0xc  }
0x64: {  	s24 =	spop (v2sf)  }
0x65: {  	s26 =	spop (v2sf)  }
0x66: {  	s25 =	spop (v2sf)  }
0x67: {  	p2 =	seq.s32 s24, s26;
	p3 =	seq.s32 s25, s24  }
0x68: {  	p3 =	por p2, p3  }
0x69: {  	v4 =	vpsel p3, $0xFFFFFFFF, v4  }
0x6a: {  	s24 =	sand.u32 $0x1, s21;
	[tilespmem:s23+$0x10] =	vst.msk $0x1, v4  }
0x6b: {  	s26 =	sshll.u32 s24, $0xD;
	v4 =	vld [tilespmem:$0x30]  }
0x6c: {  	v5 =	vld [tilespmem:s26+$0xA100]  }
0x6d: {  	v6 =	vld [tilespmem:s23+$0x40];
	_ =	sdelay $0x3  }
0x6e: {  	vm4 =	vmmov vm1;
	v5 =	vadd.f32 v5, v4  }
0x6f: {  	vm5 =	vmmov vm2;
	vm4 =	vmmov @p2 vm2;
	s24 =	sshll.u32 s24, $0x4;
	v4 =	vadd.f32 v6, v4  }
0x70: {  	vm5 =	vmmov @p3 vm1;
	s24 =	sor.u32 $0x12100, s24;
	[tilespmem:s26+$0xA100] =	vst.msk vm4, v5  }
0x71: {  	[tilespmem:s24+$0x0] =	vst.msk vm5, v4  }
0x72: {  	v4 =	vld [tilespmem:s26+$0x80F0];
	_ =	sdelay $0x3  }
0x73: {  	v5 =	vimm.f32 $0.0e+00  }
0x74: {  	v4 =	vshift.insert v4, v5, s19  }
0x75: {  	s28 =	sor.u32 $0x40, s29  }
0x76: {  	[tilespmem:s28+$0x0] =	vst.msk $0x1, v4  }
0x77: {  	[tilespmem:s26+$0x80FF] =	vst.msk $0x1, v5  }
0x78: {  	v4 =	vld [tilespmem:s0+$0x20F0];
	_ =	sdelay $0x1  }
0x79: {  	s0 =	smulhi.u32 $0xAAAAAAAB, s18;
	_ =	sdelay $0x1  }
0x7a: {  	s28 =	simm.s32 $0x1;
	s0 =	sshrl.u32 s0, $0x1  }
0x7b: {  	s28 =	simm.s32 @!p0 $0x0;
	s0 =	smul.u32 $0xFFFE8000, s0;
	v4 =	vshift.insert v4, v1, s19  }
0x7c: {  	s30 =	sshll.u32 s28, $0xD  }
0x7d: {  	s28 =	sadd.s32 $0xA100, s30;
	s0 =	sshra.s32 s0, $0x2;
	[tilespmem:s29+$0x10] =	vst.msk $0x1, v4  }
0x7e: {  	s0 =	sadd.s32 s0, s17;
	v6 =	vld [tilespmem:s28+$0x0]  }
0x7f: {  	v7 =	vld [tilespmem:s0+$0x0];
	_ =	sdelay $0x3  }
0x80: {  	v5 =	vadd.f32 v6, v5  }
0x81: {  	vm4 =	vne.s32 v7, $0xFFFFFFFF  }
0x82: {  	(xrf2) =	vadd.seg.scan.f32 vm4, v5;
	_ =	sdelay $0x3  }
0x83: {  	s29 =	sadd.s32 $0x6100, s30;
	v5 =	vperm.xlane v4, v1  }
0x84: {  	v6 =	vld [tilespmem:s29+$0x0]  }
0x85: {  	vm5 =	veq.s32 v7, v3;
	vm6 =	veq.s32 v7, v5  }
0x86: {  	vm7 =	vgt.u32 v7, $0xFFFFFFFD;
	vm6 =	vmor vm6, vm5  }
0x87: {  	vm6 =	vmor vm6, vm7  }
0x88: {  	v9 =	vld [tilespmem:$0xA0];
	v7 =	vsel vm6, $0xFFFFFFFF, v7  }
0x89: {  	v10 =	vld [tilespmem:$0x90];
	v6 =	vsel vm5, $0x0, v6;
	v8, _, _ =	vpop (xrf2)  }
0x8a: {  	v6 =	vadd.f32 v8, v6  }
0x8b: {  	s30 =	sadd.s32 $0xE100, s30  }
0x8c: {  	vm4 =	vmand vm4, vm3;
	[tilespmem:s30+$0x0] =	vst v6;
	(ifvalue) =	ssetifvalue $0xFFFFFFFF  }
0x8d: {  	vm6 =	veq.s32 v9, $0x1;
	[hbm4b:s1+s14] =	stream.indirect_vreg.scatter [tilespmem:s30], [sflag:$0x2], $0x1, v7, vm0, $0x4038;
	v7 =	vsel vm4, $0x0, v8;
	[tilespmem:$0x12120] =	vst v63  }
0x8e: {  	s31 =	simm.s32 $0x0;
	s0 =	sadd.s32 $0x10, s0;
	vm4 =	vmor vm6, vm5;
	v6 =	vsel vm5, v8, v10;
	v7 =	vshift.insert v7, v0, s19  }
.LBB2_8:
0x8f: {  	v8 =	vld [tilespmem:s0+$0x0];
	s28 =	sadd.s32 $0x10, s28  }
0x90: {  	s29 =	sadd.s32 $0x10, s29;
	v9 =	vld [tilespmem:s28+$0x0]  }
0x91: {  	s31 =	sadd.s32 $0x10, s31;
	v10 =	vld [tilespmem:s29+$0x0]  }
0x92: {  	p2 =	slt.u32 s31, $0x1FF0;
	_ =	sdelay $0x2  }
0x93: {  	v7 =	vadd.f32 v9, v7  }
0x94: {  	vm5 =	vne.s32 v8, $0xFFFFFFFF  }
0x95: {  	vm6 =	vmand vm5, vm3;
	(xrf2) =	vadd.seg.scan.f32 vm5, v7;
	_ =	sdelay $0x5  }
0x96: {  	vm7 =	veq.s32 v8, v5;
	vm5 =	veq.s32 v8, v3  }
0x97: {  	vm8 =	vgt.u32 v8, $0xFFFFFFFD;
	vm4 =	vmor vm4, vm5;
	vm7 =	vmor vm7, vm5  }
0x98: {  	vm7 =	vmor vm7, vm8  }
0x99: {  	v8 =	vsel vm7, $0xFFFFFFFF, v8  }
.Ltmp6:
0x9a: {  	v7 =	vsel vm5, $0x0, v10;
	v9, _, _ =	vpop (xrf2);
	(pc) =	sbr.rel @p2 .LBB2_8-.Ltmp6, $4  }
0x9b: {  	v6 =	vsel vm5, v9, v6;
	v10 =	vadd.f32 v9, v7;
	v7 =	vsel vm6, $0x0, v9  }
0x9c: {  	s30 =	sadd.s32 $0x10, s30;
	v7 =	vshift.insert v7, v0, s19  }
0x9d: {  	s0 =	sadd.s32 $0x10, s0;
	[tilespmem:s30+$0x0] =	vst v10;
	(ifvalue) =	ssetifvalue $0xFFFFFFFF  }
0x9e: {  	[hbm4b:s1+s14] =	stream.indirect_vreg.scatter [tilespmem:s30], [sflag:$0x2], $0x1, v8, vm0, $0x4038;
	[tilespmem:$0x12120] =	vst v63  }
0x9f: {  	v3 =	vld [tilespmem:s26+$0x100F0];
	_ =	sdelay $0x4  }
0xa0: {  	v3 =	vshift.insert v3, v0, s19;
	_ =	sdelay $0x1  }
0xa1: {  	[tilespmem:s20+$0x0] =	vst.msk $0x1, v3  }
0xa2: {  	v3 =	vsel vm4, $0x1, v1;
	[tilespmem:$0x90] =	vst v6  }
0xa3: {  	s0 =	sadd.s32 @!p1 $0x100FF, s26;
	[tilespmem:$0xA0] =	vst v3  }
0xa4: {  	[spmem:s12] =	stream.linear.scatter @!p1 [tilespmem:s0], [sflag:$0x1], $0x1, $0x38;
	[tilespmem:$0x12120] =	vst v63  }
0xa5: {  	s0 =	simm.s32 @!p1 $0x1  }
0xa6: {  	v3 =	vmctz.xlane @!p1 vm4;
	_ =	swait.ge @!p1 [sflag:s0], $0x1  }
0xa7: {  	(v2sf) =	vpush @!p1 v4, $0x0  }
0xa8: {  	(v2sf) =	vpush @!p1 v3, $0x0;
	_ =	sdelay $0xd  }
0xa9: {  	s26 =	spop @!p1 (v2sf)  }
0xaa: {  	s28 =	spop @!p1 (v2sf)  }
0xab: {  	p2 =	sne.s32 @!p1 s25, s26;
	p3 =	slt.s32 @!p1 s28, $0xF  }
0xac: {  	[sflag:s0] =	ssyncset.done @!p1 $0x0;
	p2 =	por p2, p1;
	p3 =	por !p3, p1  }
0xad: {  	[sflag:s0] =	ssyncadd.s32 @!p1 $0xFFFFFFFF;
	v3 =	vimm.s32 @!p2 $0xFFFFFFFF;
	s28 =	simm.s32 @p3 $0xF  }
0xae: {  	[tilespmem:$0x80] =	vst @!p2 v3;
	s25 =	sadd.s32 @!p1 $0x90, s28  }
0xaf: {  	[spmem:s9] =	stream.linear.scatter @!p1 [tilespmem:s25], [sflag:$0x1], $0x1, $0x38;
	[tilespmem:$0x12120] =	vst v63  }
0xb0: {  	_ =	swait.ge @!p1 [sflag:s0], $0x1  }
0xb1: {  	[sflag:s0] =	ssyncset.done @!p1 $0x0  }
0xb2: {  	s25 =	simm.s32 @!p1 $0x80;
	[sflag:s0] =	ssyncadd.s32 @!p1 $0xFFFFFFFF  }
0xb3: {  	[spmem:s13] =	stream.linear.scatter @!p1 [tilespmem:s25], [sflag:$0x1], $0x1, $0x38;
	[tilespmem:$0x12120] =	vst v63  }
0xb4: {  	_ =	swait.ge @!p1 [sflag:s0], $0x1  }
0xb5: {  	[sflag:s0] =	ssyncset.done @!p1 $0x0  }
0xb6: {  	[sflag:s0] =	ssyncadd.s32 @!p1 $0xFFFFFFFF;
	(ifvalue) =	ssetifvalue $0xFFFFFFFF;
	v3 =	vld [tilespmem:s23+$0x10];
	_ =	sdelay $0x3  }
.Ltmp7:
0xb7: {  	_ = 	snop;
	(pc) =	sbr.rel .LBB2_10-.Ltmp7, $3  }
0xb8: {  	_ =	sdelay $0x1  }
0xb9: {  	(ifvalue) =	ssetifvalue $0xFFFFFFFF  }
0xba: {  	[hbm4b:s1+s14] =	stream.indirect_vreg.scatter [tilespmem:s24], [sflag:$0x9], $0x1, v3, vm0, $0x4038;
	[tilespmem:$0x12120] =	vst v63  }
.LBB2_11:
0xbb: {  	_ =	sfence.sel $0x180000  }
0xbc: {  	s0 =	simm.s32 $0x7;
	[bflag:$0x0] =	sbarrier.arrive $0xFFFF  }
0xbd: {  	s26 =	simm.s32 $0x8;
	[sflag:s0] =	ssyncpa.u1 $0x1  }
0xbe: {  	s28 =	simm.s32 $0x9;
	[sflag:s26] =	ssyncpa.u1 $0x1  }
0xbf: {  	[sflag:s28] =	ssyncpa.u1 $0x1  }
0xc0: {  	_ =	sfence.stream.spmem  }
0xc1: {  	s29 =	simm.s32 $0x3;
	[bflag:$0x0] =	sbarrier.arrive $0xFFFF  }
0xc2: {  	s30 =	simm.s32 $0x4;
	[sflag:s29] =	ssyncpa.u1 $0x1  }
0xc3: {  	s31 =	simm.s32 $0x3C;
	[sflag:s30] =	ssyncpa.u1 $0x1  }
0xc4: {  	p0 =	sne.s32 s4, $0x0;
	[sflag:s31] =	ssyncpa.u1 $0x1  }
0xc5: {  	s0 =	simm.s32 @p0 $0x1;
	_ =	sfence @p0  }
0xc6: {  	[sflag:s0] =	ssyncpa.u1 @p0 $0x1;
	s0 =	simm.s32 @p0 $0x2  }
0xc7: {  	[sflag:s0] =	ssyncpa.u1 @p0 $0x1  }
0xc8: {  	_ =	strace @p0 $0x9000004A  }
0xc9: {  	[bflag:$0x2] =	sbarrier.arrive @p0 $0xFFFF  }
0xca: {  	_ =	shalt @p0  }
.LBB2_12:
0xcb: {  	_ =	sfence.stream.spmem;
	s0 =	simm.s32 $0x5  }
0xcc: {  	s2 =	simm.s32 $0x80;
	s3 =	simm.s32 $0xC0;
	[sflag:s0] =	ssyncpa.u1 $0x0  }
0xcd: {  	[tilespmem:s3], [sflag:$0x5] =	stream.linear.gather [spmem:s2], $0x20, $0x38;
	[tilespmem:$0x12120] =	vst v63  }
0xce: {  	s2 =	simm.s32 $0x0;
	s3 =	simm.s32 $0xE0  }
0xcf: {  	[tilespmem:s3], [sflag:$0x5] =	stream.linear.gather [spmem:s2], $0x20, $0x38;
	[tilespmem:$0x12120] =	vst v63  }
.Ltmp8:
0xd0: {  	_ = 	snop;
	(pc) =	sbr.rel .LBB2_13-.Ltmp8, $4  }
0xd1: {  	_ =	swait.ge [sflag:s0], $0x40  }
0xd2: {  	[sflag:s0] =	ssyncset.done $0x0  }
0xd3: {  	s31 =	simm.s32 $0x6;
	[sflag:s0] =	ssyncadd.s32 $0xFFFFFFC0  }
0xd4: {  	s4 =	simm.s32 $0x0;
	[sflag:s31] =	ssyncpa.u1 $0x0  }
.LBB2_18:
0xd5: {  	p0 =	sgt.u32 s5, $0xFFFFF  }
0xd6: {  	s0 =	sshrl.u32 @!p0 s5, $0x3  }
0xd7: {  	s5 =	sand.u32 @!p0 $0x7, s5;
	s6 =	simm.s32 @!p0 $0xB0;
	s0 =	sadd.s32 @!p0 s1, s0  }
0xd8: {  	[tilespmem:s6], [sflag:$0x6] =	stream.linear.gather @!p0 [hbm4b:s0+s5], $0x1, $0x38;
	[tilespmem:$0x12120] =	vst v63  }
0xd9: {  	s0 =	simm.s32 @!p0 $0x6  }
0xda: {  	_ =	swait.ge @!p0 [sflag:s0], $0x1  }
0xdb: {  	[sflag:s0] =	ssyncset.done @!p0 $0x0  }
0xdc: {  	[sflag:s0] =	ssyncadd.s32 @!p0 $0xFFFFFFFF  }
0xdd: {  	v2 =	vmov @!p0 s4;
	v1 =	vld.msk @!p0 [tilespmem:$0xB0], $0x1;
	_ =	sdelay $0x3  }
0xde: {  	s0 =	simm.s32 @!p0 $0xE0  }
0xdf: {  	[tilespmem:v2+s0+$0x0], v1 =	vst.idx.ret.add.f32.msk @!p0 $0x1, v1  }
0xe0: {  	[tilespmem:s2+$0xC0] =	vst.msk $0x1, v0  }
0xe1: {  	v0 =	vld.msk [tilespmem:s4+$0xE0], $0x1;
	_ =	sdelay $0x4  }
0xe2: {  	[tilespmem:s2+$0xE0] =	vst.msk $0x1, v0;
	s2 =	sadd.s32 $0x1, s2  }
.LBB2_20:
0xe3: {  	s4 =	sadd.s32 $0x1, s4  }
0xe4: {  	p0 =	sne.s32 s4, $0x20  }
.Ltmp9:
0xe5: {  	_ = 	snop;
	(pc) =	sbr.rel @!p0 .LBB2_21-.Ltmp9, $1  }
0xe6: {  	_ =	sdelay $0x3  }
.LBB2_13:
0xe7: {  	v0 =	vld.msk [tilespmem:s4+$0xC0], $0x1;
	_ =	sdelay $0x4  }
0xe8: {  	(v2sf) =	vpush v0, $0x0;
	_ =	sdelay $0xe  }
0xe9: {  	s5 =	spop (v2sf)  }
0xea: {  	p0 =	seq.s32 s5, $0xFFFFFFFF  }
.Ltmp10:
0xeb: {  	_ = 	snop;
	(pc) =	sbr.rel @p0 .LBB2_20-.Ltmp10, $1  }
0xec: {  	_ =	sdelay $0x3  }
0xed: {  	p0 =	slt.s32 s2, $0x1  }
.Ltmp11:
0xee: {  	_ = 	snop;
	(pc) =	sbr.rel @p0 .LBB2_18-.Ltmp11, $1  }
0xef: {  	_ =	sdelay $0x3  }
0xf0: {  	s6 =	simm.s32 $0xC0;
	p0 =	por $0x0, $0x0  }
0xf1: {  	v1 =	vld.msk @!p0 [tilespmem:s6+$0x0], $0x1;
	_ =	sdelay $0x4  }
0xf2: {  	(v2sf) =	vpush @!p0 v1, $0x0;
	_ =	sdelay $0xd  }
0xf3: {  	p2 =	sne.s32 s2, $0x1  }
.Ltmp12:
0xf4: {  	s0 =	spop @!p0 (v2sf);
	(pc) =	sbr.rel @!p2 .LBB2_17-.Ltmp12, $4  }
0xf5: {  	p1 =	seq.s32 @!p0 s5, s0  }
0xf6: {  	s0 =	simm.s32 $0x0;
	p1 =	por !p1, p0  }
0xf7: {  	s8 =	simm.s32 $0xFFFFFFFF;
	s0 =	simm.s32 @p1 $0xFFFFFFFF  }
0xf8: {  	s7 =	simm.s32 $0x1;
	s0 =	smov.u32 @p0 s8  }
.LBB2_16:
0xf9: {  	s8 =	smov.u32 s0;
	p0 =	sne.s32 s0, $0xFFFFFFFF  }
0xfa: {  	s6 =	sadd.s32 $0x1, s6;
	s0 =	smov.u32 s7;
	s7 =	sadd.s32 $0x1, s7  }
0xfb: {  	p1 =	sne.s32 s2, s7;
	v1 =	vld.msk @!p0 [tilespmem:s6+$0x0], $0x1;
	_ =	sdelay $0x4  }
0xfc: {  	(v2sf) =	vpush @!p0 v1, $0x0;
	_ =	sdelay $0xe  }
.Ltmp13:
0xfd: {  	s9 =	spop @!p0 (v2sf);
	(pc) =	sbr.rel @p1 .LBB2_16-.Ltmp13, $4  }
0xfe: {  	p2 =	seq.s32 @!p0 s5, s9  }
0xff: {  	p2 =	por !p2, p0  }
0x100: {  	s0 =	simm.s32 @p2 $0xFFFFFFFF  }
0x101: {  	s0 =	smov.u32 @p0 s8  }
.LBB2_17:
0x102: {  	p0 =	sne.s32 s0, $0xFFFFFFFF  }
.Ltmp14:
0x103: {  	_ = 	snop;
	(pc) =	sbr.rel @!p0 .LBB2_18-.Ltmp14, $1  }
0x104: {  	_ =	sdelay $0x3  }
0x105: {  	v0 =	vld.msk [tilespmem:s4+$0xE0], $0x1;
	v1 =	vmov s0  }
.Ltmp15:
0x106: {  	_ = 	snop;
	(pc) =	sbr.rel .LBB2_20-.Ltmp15, $2  }
0x107: {  	_ =	sdelay $0x2  }
0x108: {  	[tilespmem:v1+s3+$0x0], v0 =	vst.idx.ret.add.f32.msk $0x1, v0  }
.LBB2_21:
0x109: {  	p0 =	slt.s32 s2, $0x1  }
.Ltmp16:
0x10a: {  	_ = 	snop;
	(pc) =	sbr.rel @p0 .LBB2_25-.Ltmp16, $3  }
0x10b: {  	_ =	sdelay $0x1  }
0x10c: {  	s0 =	simm.s32 $0x6  }
0x10d: {  	s3 =	simm.s32 $0x0;
	[sflag:s0] =	ssyncpa.u1 $0x1  }
0x10e: {  	s0 =	simm.s32 $0xC0  }
0x10f: {  	v0 =	vld.msk [tilespmem:s0+$0x0], $0x1;
	_ =	sdelay $0x4  }
0x110: {  	(v2sf) =	vpush v0, $0x0;
	_ =	sdelay $0xe  }
0x111: {  	s2 =	sadd.s32 $0xFFFFFFFF, s2;
	s4 =	spop (v2sf)  }
0x112: {  	p1 =	sne.s32 s2, $0x0;
	p0 =	sgt.u32 s4, $0xFFFFF  }
.Ltmp17:
0x113: {  	s5 =	sshrl.u32 @!p0 s4, $0x3;
	(pc) =	sbr.rel @!p1 .LBB2_24-.Ltmp17, $4  }
0x114: {  	s0 =	simm.s32 $0xE0;
	s4 =	sand.u32 @!p0 $0x7, s4;
	s5 =	sadd.s32 @!p0 s1, s5  }
0x115: {  	[hbm4b:s5+s4] =	stream.linear.scatter @!p0 [tilespmem:s0], [sflag:$0x5], $0x1, $0x38;
	[tilespmem:$0x12120] =	vst v63  }
0x116: {  	s5 =	simm.s32 $0x0  }
0x117: {  	s4 =	simm.s32 $0xC1;
	s5 =	simm.s32 @!p0 $0x4  }
.LBB2_23:
0x118: {  	v0 =	vld.msk [tilespmem:s4+$0x0], $0x1;
	s2 =	sadd.s32 $0xFFFFFFFF, s2;
	s3 =	sadd.s32 s3, s5  }
0x119: {  	p0 =	sne.s32 s2, $0x0;
	_ =	sdelay $0x3  }
0x11a: {  	(v2sf) =	vpush v0, $0x0;
	_ =	sdelay $0xe  }
.Ltmp18:
0x11b: {  	s6 =	spop (v2sf);
	(pc) =	sbr.rel @p0 .LBB2_23-.Ltmp18, $4  }
0x11c: {  	s5 =	simm.s32 $0x0;
	p1 =	sgt.u32 s6, $0xFFFFF  }
0x11d: {  	s0 =	sadd.s32 $0x1, s0;
	s5 =	simm.s32 @!p1 $0x4;
	s7 =	sshrl.u32 @!p1 s6, $0x3  }
0x11e: {  	s4 =	sadd.s32 $0x1, s4;
	s6 =	sand.u32 @!p1 $0x7, s6;
	s7 =	sadd.s32 @!p1 s1, s7  }
0x11f: {  	[hbm4b:s7+s6] =	stream.linear.scatter @!p1 [tilespmem:s0], [sflag:$0x5], $0x1, $0x38;
	[tilespmem:$0x12120] =	vst v63  }
.LBB2_24:
0x120: {  	s0 =	sadd.s32 s3, s5  }
0x121: {  	s3 =	sshrl.u32 s0, $0x2  }
.LBB2_25:
0x122: {  	s0 =	simm.s32 $0x5  }
0x123: {  	_ =	swait.ge [sflag:s0], s3  }
0x124: {  	s1 =	ssub.s32 $0x0, s3;
	[sflag:s0] =	ssyncset.done $0x0  }
0x125: {  	[sflag:s0] =	ssyncadd.s32 s1  }
0x126: {  	[sflag:s0] =	ssyncpa.u1 $0x1  }
0x127: {  	s29 =	simm.s32 $0x1;
	_ =	sfence  }
0x128: {  	s30 =	simm.s32 $0x2;
	[sflag:s29] =	ssyncpa.u1 $0x1  }
0x129: {  	[sflag:s30] =	ssyncpa.u1 $0x1  }
0x12a: {  	_ =	strace $0x9000004A  }
0x12b: {  	[bflag:$0x2] =	sbarrier.arrive $0xFFFF  }
0x12c: {  	s31 =	rddreg [dreg:$0x1]  }
0x12d: {  	s0 =	sadd.s32 $0x100000, s31  }
0x12e: {  	[sflag:s0] =	ssyncadd.tile.s32 $0x1;
	_ =	shalt  }
.Lfunc_end2:
_tile_overlayer_lowered:
.L_overlay_start_2:
0x12f: {  	(tag) =	ssettag $0x2  }
0x130: {  	s0 =	rddreg [dreg:$0x0];
	s2 =	stileid.u32  }
0x131: {  	s1 =	rddreg [dreg:$0x1];
	p0 =	sne.s32 s2, $0x0  }
0x132: {  	s3 =	rddreg [dreg:$0x2];
	[bflag:$0x3] =	sbarrier.arrive $0xFFFF;
	s2 =	simm.s32 @!p0 $0x1C01  }
0x133: {  	[timem:s3], [sflag:s2] =	dma.local @!p0 [hbm:s0], s1  }
0x134: {  	s0 =	simm.s32 @!p0 $0x1  }
0x135: {  	_ =	swait.ge @!p0 [sflag:s0], s1  }
0x136: {  	s1 =	ssub.s32 @!p0 $0x0, s1;
	[sflag:s0] =	ssyncset.done @!p0 $0x0  }
0x137: {  	[sflag:s0] =	ssyncadd.s32 @!p0 s1  }
0x138: {  	[bflag:$0x3] =	sbarrier.arrive $0xFFFF  }
0x139: {  	_ =	shalt  }

// kernel: scatter_offload_async_start
scs
__scs_entry_jumppad:
0x0: {  	(pc) =	sbr.rel $0x88, $3  }
0x1: {  	(tag) =	ssettag $0x0;
	lr =	simm.s32 $0x1  }
0x2: {  	[smem:$0x3F9E] =	sst lr;
	_ =	strace $0xD0000000  }
0x3: {  	_ = 	snop  }
0x4: {  	_ = 	snop  }
0x5: {  	_ = 	snop  }
0x6: {  	_ = 	snop  }
0x7: {  	_ = 	snop  }
__scs_overlays_trampoline_lowered:
0x8: {  	[smem:$0x3FAD] =	sst s0  }
0x9: {  	[smem:$0x3FAE] =	sst s1  }
0xa: {  	[smem:$0x3FAF] =	sst s2  }
0xb: {  	[smem:$0x3FB0] =	sst s3  }
0xc: {  	[smem:$0x3FB1] =	sst s4  }
0xd: {  	[smem:$0x3FB2] =	sst s5  }
0xe: {  	[smem:$0x3FB3] =	sst s6  }
0xf: {  	[smem:$0x3FB4] =	sst s7  }
0x10: {  	[smem:$0x3FB5] =	sst s8  }
0x11: {  	[smem:$0x3FB6] =	sst s9;
	s0 =	simm.s32 @!p0 $0x0  }
0x12: {  	s1 =	sld [smem:$0x3F9C];
	s0 =	simm.s32 @p0 $0x1  }
0x13: {  	[smem:$0x3FB7] =	sst s0;
	s0 =	simm.s32 @!p1 $0x0  }
0x14: {  	s2 =	sld [smem:$0x3F9B];
	s0 =	simm.s32 @p1 $0x1  }
0x15: {  	[smem:$0x3FB8] =	sst s0;
	s0 =	simm.s32 @!p2 $0x0  }
0x16: {  	s3 =	sld [smem:$0x3FDB];
	s0 =	simm.s32 @p2 $0x1  }
0x17: {  	s4 =	simm.s32 $0x1BF5;
	[smem:$0x3FBA] =	sst s0  }
0x18: {  	s0 =	sld [smem:$0x3F9D];
	_ =	swait.ge [sflag:s4], $0x0  }
0x19: {  	s7 =	sld [smem:$0x3F9E]  }
0x1a: {  	s8 =	sadd.s32 $0xFFFFE003, lr  }
0x1b: {  	s9 =	sadd.s32 $0xFFFFFEF7, lr;
	s5 =	simm.s32 $0xFFFFFFFF;
	p2 =	slt.u32 s8, $0xFFFFF086  }
0x1c: {  	p1 =	slt.u32 s9, $0xF7A;
	s5 =	simm.s32 @!p2 $0x0  }
0x1d: {  	s5 =	simm.s32 @p1 $0x1;
	p0 =	seq.s32 s7, s2  }
0x1e: {  	s7 =	smul.u32 @!p0 $0xF7A, s2;
	p2 =	seq.s32 @!p0 s5, $0x0  }
0x1f: {  	s9 =	smul.u32 $0xF7A, s1;
	s8 =	simm.s32 @!p0 $0x1BF5;
	p2 =	por !p2, p0  }
0x20: {  	[sflag:s8] =	ssyncset.s32 @!p0 $0xFFFFF086;
	s6 =	sadd.s32 @!p0 s3, s7;
	s7 =	simm.s32 @!p0 $0x108  }
0x21: {  	s3 =	sadd.s32 s3, s9;
	s6 =	sadd.s32 @!p0 $0x88, s6;
	s7 =	simm.s32 @p2 $0x1082  }
0x22: {  	[simem:s7], [sflag:s8] =	dma.local @!p0 [hbm:s6], $0xF7A  }
0x23: {  	s9 =	sor.u32 $0xD0000000, s2;
	s6 =	simm.s32 $0x108;
	_ =	swait.ge @!p0 [sflag:s8], $0x0  }
0x24: {  	s3 =	sadd.s32 $0x88, s3;
	s6 =	simm.s32 @!p1 $0x1082;
	[sflag:s4] =	ssyncset.s32 $0xFFFFF086  }
0x25: {  	[simem:s6], [sflag:s4] =	dma.local [hbm:s3], $0xF7A  }
0x26: {  	[smem:$0x3F9E] =	sst s1;
	(tag) =	ssettag s2;
	_ =	strace s9  }
0x27: {  	s1 =	sld [smem:$0x3FAE]  }
0x28: {  	s2 =	sld [smem:$0x3FAF]  }
0x29: {  	s4 =	sld [smem:$0x3FB1]  }
0x2a: {  	p0 =	seq.s32 s5, $0x0;
	s5 =	sld [smem:$0x3FB2]  }
0x2b: {  	s6 =	sld [smem:$0x3FB3]  }
0x2c: {  	s7 =	sld [smem:$0x3FB4]  }
0x2d: {  	s3 =	simm.s32 $0x108;
	s8 =	sld [smem:$0x3FB5]  }
0x2e: {  	s3 =	simm.s32 @!p0 $0x1082;
	s9 =	sld [smem:$0x3FB6]  }
0x2f: {  	lr =	sadd.s32 s0, s3;
	s0 =	sld [smem:$0x3FAD]  }
0x30: {  	s3 =	sld [smem:$0x3FB0]  }
0x31: {  	[smem:$0x3FB9] =	sst s10  }
0x32: {  	s10 =	sld [smem:$0x3FB7];
	_ =	sdelay $0x3  }
0x33: {  	p0 =	seq.s32 s10, $0x1;
	s10 =	sld [smem:$0x3FB9];
	_ =	sdelay $0x3  }
0x34: {  	[smem:$0x3FB9] =	sst s10  }
0x35: {  	s10 =	sld [smem:$0x3FB8];
	_ =	sdelay $0x3  }
0x36: {  	p1 =	seq.s32 s10, $0x1;
	s10 =	sld [smem:$0x3FB9];
	_ =	sdelay $0x3  }
0x37: {  	[smem:$0x3FB9] =	sst s10  }
0x38: {  	s10 =	sld [smem:$0x3FBA]  }
0x39: {  	_ = 	snop;
	(pc) =	sbr.ind lr, $3  }
0x3a: {  	_ = 	snop  }
0x3b: {  	_ = 	snop  }
0x3c: {  	p2 =	seq.s32 s10, $0x1;
	s10 =	sld [smem:$0x3FB9]  }
0x3d: {  	_ =	shalt  }
0x3e: {  	_ =	shalt  }
0x3f: {  	_ =	shalt  }
0x40: {  	_ =	shalt  }
0x41: {  	_ =	shalt  }
0x42: {  	_ =	shalt  }
0x43: {  	_ =	shalt  }
0x44: {  	_ =	shalt  }
0x45: {  	_ =	shalt  }
0x46: {  	_ =	shalt  }
0x47: {  	_ =	shalt  }
0x48: {  	_ =	shalt  }
0x49: {  	_ =	shalt  }
0x4a: {  	_ =	shalt  }
0x4b: {  	_ =	shalt  }
0x4c: {  	_ =	shalt  }
0x4d: {  	_ =	shalt  }
0x4e: {  	_ =	shalt  }
0x4f: {  	_ =	shalt  }
0x50: {  	_ =	shalt  }
0x51: {  	_ =	shalt  }
0x52: {  	_ =	shalt  }
0x53: {  	_ =	shalt  }
0x54: {  	_ =	shalt  }
0x55: {  	_ =	shalt  }
0x56: {  	_ =	shalt  }
0x57: {  	_ =	shalt  }
0x58: {  	_ =	shalt  }
0x59: {  	_ =	shalt  }
0x5a: {  	_ =	shalt  }
0x5b: {  	_ =	shalt  }
0x5c: {  	_ =	shalt  }
0x5d: {  	_ =	shalt  }
0x5e: {  	_ =	shalt  }
0x5f: {  	_ =	shalt  }
0x60: {  	_ =	shalt  }
0x61: {  	_ =	shalt  }
0x62: {  	_ =	shalt  }
0x63: {  	_ =	shalt  }
0x64: {  	_ =	shalt  }
0x65: {  	_ =	shalt  }
0x66: {  	_ =	shalt  }
0x67: {  	_ =	shalt  }
0x68: {  	_ =	shalt  }
0x69: {  	_ =	shalt  }
0x6a: {  	_ =	shalt  }
0x6b: {  	_ =	shalt  }
0x6c: {  	_ =	shalt  }
0x6d: {  	_ =	shalt  }
0x6e: {  	_ =	shalt  }
0x6f: {  	_ =	shalt  }
0x70: {  	_ =	shalt  }
0x71: {  	_ =	shalt  }
0x72: {  	_ =	shalt  }
0x73: {  	_ =	shalt  }
0x74: {  	_ =	shalt  }
0x75: {  	_ =	shalt  }
0x76: {  	_ =	shalt  }
0x77: {  	_ =	shalt  }
0x78: {  	_ =	shalt  }
0x79: {  	_ =	shalt  }
0x7a: {  	_ =	shalt  }
0x7b: {  	_ =	shalt  }
0x7c: {  	_ =	shalt  }
0x7d: {  	_ =	shalt  }
0x7e: {  	_ =	shalt  }
0x7f: {  	_ =	shalt  }
0x80: {  	_ =	shalt  }
0x81: {  	_ =	shalt  }
0x82: {  	_ =	shalt  }
0x83: {  	_ =	shalt  }
0x84: {  	_ =	shalt  }
0x85: {  	_ =	shalt  }
0x86: {  	_ =	shalt  }
0x87: {  	_ =	shalt  }
.Lfunc_end0:
.L_simem_size_0:
called_computation_lowered:
.L_overlay_start_0:
0x88: {  	s2 =	sld [smem:$0x3FD9]  }
0x89: {  	s3 =	sld [smem:$0x3FFE];
	_ =	sdelay $0x1  }
0x8a: {  	s1 =	srdreg.scid  }
0x8b: {  	s0 =	sand.u32 $0x1, s1  }
0x8c: {  	s16 =	sshll.u32 s0, $0xA;
	s2 =	sadd.s32 s3, s2  }
0x8d: {  	s2 =	sadd.s32 s2, s16  }
0x8e: {  	[smem:$0x3FC5] =	sst s2  }
0x8f: {  	_ = 	snop  }
0x90: {  	s2 =	sld [smem:$0x3FD0];
	(tm) =	ssettm $0x1  }
0x91: {  	s17 =	sld [smem:$0x3FFB];
	_ =	sdelay $0x3  }
0x92: {  	_ =	strace s17  }
0x93: {  	s3 =	sld [smem:$0x3FFC];
	_ =	sdelay $0x3  }
0x94: {  	_ =	strace s3  }
0x95: {  	s3 =	sld [smem:$0x3FFD];
	_ =	sdelay $0x3  }
0x96: {  	_ =	strace s3  }
0x97: {  	_ =	strace $0x8FFFFFFF  }
0x98: {  	s18 =	sld [smem:$0x3FDB];
	_ =	sdelay $0x1  }
0x99: {  	s4 =	simm.s32 $_scs_section_size  }
0x9a: {  	s5 =	simm.s32 $_size__tile_overlayer_lowered;
	s6 =	simm.s32 $_tile_overlayer_lowered  }
0x9b: {  	s21 =	simm.s32 $0x1BFF;
	s20 =	sshll.u32 s6, $0x1;
	s3 =	sadd.s32 s4, s18  }
0x9c: {  	s7 =	simm.s32 $0x0;
	s19 =	sshll.u32 s5, $0x1;
	s5 =	sadd.s32 s20, s3  }
0x9d: {  	[timem:s7], [sflag:s21] =	dma.local [hbm:s5], s19  }
0x9e: {  	_ =	swait.ge [sflag:s21], s19  }
0x9f: {  	s4 =	ssub.s32 $0x0, s19;
	[sflag:s21] =	ssyncset.done $0x0  }
0xa0: {  	[sflag:s21] =	ssyncadd.s32 s4;
	_ =	sdelay $0x1  }
0xa1: {  	s22 =	simm.s32 $0x1B8B  }
0xa2: {  	_ =	swait.ge [sflag:s22], $0x1  }
0xa3: {  	[sflag:s22] =	ssyncset.done $0x0  }
0xa4: {  	s23 =	sld [smem:$0x3FFE];
	[sflag:s22] =	ssyncadd.s32 $0xFFFFFFFF  }
0xa5: {  	s25 =	simm.s32 $0x1B8E;
	s24 =	sld [smem:$0x0]  }
0xa6: {  	s26 =	simm.s32 $execute0_lowered;
	[smem:$0x3FD2] =	sst s25  }
0xa7: {  	s6 =	sshll.u32 s26, $0x1;
	_ =	strace $0x80000046;
	[dreg:$0x1] =	wrdreg $0xFFFFFFFF  }
0xa8: {  	s28 =	simm.s32 $_size_execute0_lowered;
	s3 =	sadd.s32 s3, s6;
	[dreg:$0x0] =	wrdreg $0x0  }
0xa9: {  	s6 =	sshll.u32 s28, $0x1;
	[dreg:$0x2] =	wrdreg s3  }
0xaa: {  	[dreg:$0x3] =	wrdreg s6  }
0xab: {  	[dreg:$0x4] =	wrdreg $0xC0  }
0xac: {  	_ =	task [dreg:s7], $0x5FFFF  }
0xad: {  	[dreg:$0x1] =	wrdreg $0xFFFFFFFF  }
0xae: {  	[dreg:$0x0] =	wrdreg $0x60  }
0xaf: {  	[dreg:$0x2] =	wrdreg s23  }
0xb0: {  	[dreg:$0x3] =	wrdreg s2  }
0xb1: {  	[dreg:$0x4] =	wrdreg s1  }
0xb2: {  	[dreg:$0x5] =	wrdreg s24  }
0xb3: {  	[dreg:$0x6] =	wrdreg $0xA  }
0xb4: {  	_ =	task.clear_ibuf [dreg:s7], $0x7FFFF;
	_ =	strace $0x90000046  }
0xb5: {  	s29 =	simm.s32 $0xA;
	_ =	strace $0x80000048  }
0xb6: {  	_ =	swait.ge [sflag:s29], $0x1  }
0xb7: {  	[sflag:s29] =	ssyncadd.s32 $0xFFFFFFFF  }
0xb8: {  	_ =	strace $0x90000048  }
0xb9: {  	_ =	sfence  }
0xba: {  	s30 =	sld [smem:$0x0];
	_ =	sdelay $0x2  }
0xbb: {  	s31 =	sshll.u32 s1, $0xD;
	s1 =	sshrl.u32 s1, $0x2  }
0xbc: {  	s3 =	sand.u32 $0x4000, s31;
	s1 =	sadd.s32 s1, s30  }
0xbd: {  	s0 =	sor.u32 s3, s0;
	s1 =	sshll.u32 s1, $0x11  }
0xbe: {  	s0 =	sor.u32 s1, s0  }
0xbf: {  	s0 =	sadd.s32 $0x8F2B, s0  }
0xc0: {  	[sflag:s0] =	ssyncadd.remote.s32 $0x1  }
0xc1: {  	_ =	sfence.sel $0xFFFF  }
0xc2: {  	[dreg:$0x0] =	wrdreg $0xFFFFFFFF;
	(pc) =	sbr.abs _section_cstart, $3  }
0xc3: {  	[dreg:$0x1] =	wrdreg $0xFFFFFFFF  }
0xc4: {  	_ =	task.clear_ibuf [dreg:s7], $0x2FFFF;
	_ =	strace $0x9FFFFFFF  }
0xc5: {  	(tm) =	ssettm $0x7FFFFFFF  }
tec
execute0_lowered:
.L_overlay_start_1:
0x0: {  	(tag) =	ssettag $0x1  }
0x1: {  	s12 =	rddreg [dreg:$0x0]  }
0x2: {  	s14 =	rddreg [dreg:$0x1]  }
0x3: {  	s2 =	rddreg [dreg:$0x2];
	_ =	strace $0x80000047;
	s13 =	simm.s32 $0x1  }
0x4: {  	v0 =	vimm.s32 $0x0;
	[sflag:s13] =	ssyncpa.u1 $0x0  }
0x5: {  	[tilespmem:$0x28] =	vst v0  }
0x6: {  	[tilespmem:$0x38] =	vst v0  }
0x7: {  	[tilespmem:$0x48] =	vst v0  }
0x8: {  	[tilespmem:$0x58] =	vst v0  }
0x9: {  	[tilespmem:$0x68] =	vst v0  }
0xa: {  	[tilespmem:$0x78] =	vst v0  }
0xb: {  	[tilespmem:$0x88] =	vst v0  }
0xc: {  	[tilespmem:$0x98] =	vst v0  }
0xd: {  	[tilespmem:$0xA8] =	vst v0  }
0xe: {  	[tilespmem:$0xB8] =	vst v0  }
0xf: {  	[tilespmem:$0xC8] =	vst v0  }
0x10: {  	[tilespmem:$0xD8] =	vst v0  }
0x11: {  	[tilespmem:$0xE8] =	vst v0  }
0x12: {  	[tilespmem:$0xF8] =	vst v0  }
0x13: {  	[tilespmem:$0x108] =	vst v0  }
0x14: {  	[tilespmem:$0x118] =	vst v0  }
0x15: {  	[tilespmem:$0x128] =	vst v0  }
0x16: {  	[tilespmem:$0x138] =	vst v0  }
0x17: {  	[tilespmem:$0x148] =	vst v0  }
0x18: {  	[tilespmem:$0x158] =	vst v0  }
0x19: {  	[tilespmem:$0x168] =	vst v0  }
0x1a: {  	[tilespmem:$0x178] =	vst v0  }
0x1b: {  	[tilespmem:$0x188] =	vst v0  }
0x1c: {  	[tilespmem:$0x198] =	vst v0  }
0x1d: {  	[tilespmem:$0x1A8] =	vst v0  }
0x1e: {  	[tilespmem:$0x1B8] =	vst v0  }
0x1f: {  	[tilespmem:$0x1C8] =	vst v0  }
0x20: {  	[tilespmem:$0x1D8] =	vst v0  }
0x21: {  	[tilespmem:$0x1E8] =	vst v0  }
0x22: {  	[tilespmem:$0x1F8] =	vst v0  }
0x23: {  	[tilespmem:$0x208] =	vst v0  }
0x24: {  	[tilespmem:$0x218] =	vst v0  }
0x25: {  	[tilespmem:$0x228] =	vst v0  }
0x26: {  	[tilespmem:$0x238] =	vst v0  }
0x27: {  	[tilespmem:$0x248] =	vst v0  }
0x28: {  	[tilespmem:$0x258] =	vst v0  }
0x29: {  	[tilespmem:$0x268] =	vst v0  }
0x2a: {  	[tilespmem:$0x278] =	vst v0  }
0x2b: {  	[tilespmem:$0x288] =	vst v0  }
0x2c: {  	[tilespmem:$0x298] =	vst v0  }
0x2d: {  	[tilespmem:$0x2A8] =	vst v0  }
0x2e: {  	[tilespmem:$0x2B8] =	vst v0  }
0x2f: {  	[tilespmem:$0x2C8] =	vst v0  }
0x30: {  	[tilespmem:$0x2D8] =	vst v0  }
0x31: {  	[tilespmem:$0x2E8] =	vst v0  }
0x32: {  	[tilespmem:$0x2F8] =	vst v0  }
0x33: {  	[tilespmem:$0x308] =	vst v0  }
0x34: {  	[tilespmem:$0x318] =	vst v0  }
0x35: {  	[tilespmem:$0x328] =	vst v0  }
0x36: {  	[tilespmem:$0x338] =	vst v0  }
0x37: {  	[tilespmem:$0x348] =	vst v0  }
0x38: {  	[tilespmem:$0x358] =	vst v0  }
0x39: {  	[tilespmem:$0x368] =	vst v0  }
0x3a: {  	[tilespmem:$0x378] =	vst v0  }
0x3b: {  	[tilespmem:$0x388] =	vst v0  }
0x3c: {  	[tilespmem:$0x398] =	vst v0  }
0x3d: {  	[tilespmem:$0x3A8] =	vst v0  }
0x3e: {  	[tilespmem:$0x3B8] =	vst v0  }
0x3f: {  	[tilespmem:$0x3C8] =	vst v0  }
0x40: {  	[tilespmem:$0x3D8] =	vst v0  }
0x41: {  	[tilespmem:$0x3E8] =	vst v0  }
0x42: {  	[tilespmem:$0x3F8] =	vst v0  }
0x43: {  	[tilespmem:$0x408] =	vst v0  }
0x44: {  	[tilespmem:$0x418] =	vst v0  }
0x45: {  	[tilespmem:$0x428] =	vst v0  }
0x46: {  	[tilespmem:$0x438] =	vst v0  }
0x47: {  	[tilespmem:$0x448] =	vst v0  }
0x48: {  	[tilespmem:$0x458] =	vst v0  }
0x49: {  	[tilespmem:$0x468] =	vst v0  }
0x4a: {  	[tilespmem:$0x478] =	vst v0  }
0x4b: {  	[tilespmem:$0x488] =	vst v0  }
0x4c: {  	[tilespmem:$0x498] =	vst v0  }
0x4d: {  	[tilespmem:$0x4A8] =	vst v0  }
0x4e: {  	[tilespmem:$0x4B8] =	vst v0  }
0x4f: {  	[tilespmem:$0x4C8] =	vst v0  }
0x50: {  	[tilespmem:$0x4D8] =	vst v0  }
0x51: {  	[tilespmem:$0x4E8] =	vst v0  }
0x52: {  	[tilespmem:$0x4F8] =	vst v0  }
0x53: {  	[tilespmem:$0x508] =	vst v0  }
0x54: {  	[tilespmem:$0x518] =	vst v0  }
0x55: {  	[tilespmem:$0x528] =	vst v0  }
0x56: {  	[tilespmem:$0x538] =	vst v0  }
0x57: {  	[tilespmem:$0x548] =	vst v0  }
0x58: {  	[tilespmem:$0x558] =	vst v0  }
0x59: {  	[tilespmem:$0x568] =	vst v0  }
0x5a: {  	[tilespmem:$0x578] =	vst v0  }
0x5b: {  	[tilespmem:$0x588] =	vst v0  }
0x5c: {  	[tilespmem:$0x598] =	vst v0  }
0x5d: {  	[tilespmem:$0x5A8] =	vst v0  }
0x5e: {  	[tilespmem:$0x5B8] =	vst v0  }
0x5f: {  	[tilespmem:$0x5C8] =	vst v0  }
0x60: {  	[tilespmem:$0x5D8] =	vst v0  }
0x61: {  	[tilespmem:$0x5E8] =	vst v0  }
0x62: {  	[tilespmem:$0x5F8] =	vst v0  }
0x63: {  	[tilespmem:$0x608] =	vst v0  }
0x64: {  	[tilespmem:$0x618] =	vst v0  }
0x65: {  	[tilespmem:$0x628] =	vst v0  }
0x66: {  	[tilespmem:$0x638] =	vst v0  }
0x67: {  	[tilespmem:$0x648] =	vst v0  }
0x68: {  	[tilespmem:$0x658] =	vst v0  }
0x69: {  	[tilespmem:$0x668] =	vst v0  }
0x6a: {  	[tilespmem:$0x678] =	vst v0  }
0x6b: {  	[tilespmem:$0x688] =	vst v0  }
0x6c: {  	[tilespmem:$0x698] =	vst v0  }
0x6d: {  	[tilespmem:$0x6A8] =	vst v0  }
0x6e: {  	[tilespmem:$0x6B8] =	vst v0  }
0x6f: {  	[tilespmem:$0x6C8] =	vst v0  }
0x70: {  	[tilespmem:$0x6D8] =	vst v0  }
0x71: {  	[tilespmem:$0x6E8] =	vst v0  }
0x72: {  	[tilespmem:$0x6F8] =	vst v0  }
0x73: {  	[tilespmem:$0x708] =	vst v0  }
0x74: {  	[tilespmem:$0x718] =	vst v0  }
0x75: {  	[tilespmem:$0x728] =	vst v0  }
0x76: {  	[tilespmem:$0x738] =	vst v0  }
0x77: {  	[tilespmem:$0x748] =	vst v0  }
0x78: {  	[tilespmem:$0x758] =	vst v0  }
0x79: {  	[tilespmem:$0x768] =	vst v0  }
0x7a: {  	[tilespmem:$0x778] =	vst v0  }
0x7b: {  	[tilespmem:$0x788] =	vst v0  }
0x7c: {  	[tilespmem:$0x798] =	vst v0  }
0x7d: {  	[tilespmem:$0x7A8] =	vst v0  }
0x7e: {  	[tilespmem:$0x7B8] =	vst v0  }
0x7f: {  	[tilespmem:$0x7C8] =	vst v0  }
0x80: {  	[tilespmem:$0x7D8] =	vst v0  }
0x81: {  	[tilespmem:$0x7E8] =	vst v0  }
0x82: {  	[tilespmem:$0x7F8] =	vst v0  }
0x83: {  	[tilespmem:$0x808] =	vst v0  }
0x84: {  	[tilespmem:$0x818] =	vst v0  }
0x85: {  	[tilespmem:$0x828] =	vst v0  }
0x86: {  	[tilespmem:$0x838] =	vst v0  }
0x87: {  	[tilespmem:$0x848] =	vst v0  }
0x88: {  	[tilespmem:$0x858] =	vst v0  }
0x89: {  	[tilespmem:$0x868] =	vst v0  }
0x8a: {  	[tilespmem:$0x878] =	vst v0  }
0x8b: {  	[tilespmem:$0x888] =	vst v0  }
0x8c: {  	[tilespmem:$0x898] =	vst v0  }
0x8d: {  	[tilespmem:$0x8A8] =	vst v0  }
0x8e: {  	[tilespmem:$0x8B8] =	vst v0  }
0x8f: {  	[tilespmem:$0x8C8] =	vst v0  }
0x90: {  	[tilespmem:$0x8D8] =	vst v0  }
0x91: {  	[tilespmem:$0x8E8] =	vst v0  }
0x92: {  	[tilespmem:$0x8F8] =	vst v0  }
0x93: {  	[tilespmem:$0x908] =	vst v0  }
0x94: {  	[tilespmem:$0x918] =	vst v0  }
0x95: {  	[tilespmem:$0x928] =	vst v0  }
0x96: {  	[tilespmem:$0x938] =	vst v0  }
0x97: {  	[tilespmem:$0x948] =	vst v0  }
0x98: {  	[tilespmem:$0x958] =	vst v0  }
0x99: {  	[tilespmem:$0x968] =	vst v0  }
0x9a: {  	[tilespmem:$0x978] =	vst v0  }
0x9b: {  	[tilespmem:$0x988] =	vst v0  }
0x9c: {  	[tilespmem:$0x998] =	vst v0  }
0x9d: {  	[tilespmem:$0x9A8] =	vst v0  }
0x9e: {  	[tilespmem:$0x9B8] =	vst v0  }
0x9f: {  	[tilespmem:$0x9C8] =	vst v0  }
0xa0: {  	[tilespmem:$0x9D8] =	vst v0  }
0xa1: {  	[tilespmem:$0x9E8] =	vst v0  }
0xa2: {  	[tilespmem:$0x9F8] =	vst v0  }
0xa3: {  	[tilespmem:$0xA08] =	vst v0  }
0xa4: {  	[tilespmem:$0xA18] =	vst v0  }
0xa5: {  	[tilespmem:$0xA28] =	vst v0  }
0xa6: {  	[tilespmem:$0xA38] =	vst v0  }
0xa7: {  	[tilespmem:$0xA48] =	vst v0  }
0xa8: {  	[tilespmem:$0xA58] =	vst v0  }
0xa9: {  	[tilespmem:$0xA68] =	vst v0  }
0xaa: {  	[tilespmem:$0xA78] =	vst v0  }
0xab: {  	[tilespmem:$0xA88] =	vst v0  }
0xac: {  	[tilespmem:$0xA98] =	vst v0  }
0xad: {  	[tilespmem:$0xAA8] =	vst v0  }
0xae: {  	[tilespmem:$0xAB8] =	vst v0  }
0xaf: {  	[tilespmem:$0xAC8] =	vst v0  }
0xb0: {  	[tilespmem:$0xAD8] =	vst v0  }
0xb1: {  	[tilespmem:$0xAE8] =	vst v0  }
0xb2: {  	[tilespmem:$0xAF8] =	vst v0  }
0xb3: {  	[tilespmem:$0xB08] =	vst v0  }
0xb4: {  	[tilespmem:$0xB18] =	vst v0  }
0xb5: {  	[tilespmem:$0xB28] =	vst v0  }
0xb6: {  	[tilespmem:$0xB38] =	vst v0  }
0xb7: {  	[tilespmem:$0xB48] =	vst v0  }
0xb8: {  	[tilespmem:$0xB58] =	vst v0  }
0xb9: {  	[tilespmem:$0xB68] =	vst v0  }
0xba: {  	[tilespmem:$0xB78] =	vst v0  }
0xbb: {  	[tilespmem:$0xB88] =	vst v0  }
0xbc: {  	[tilespmem:$0xB98] =	vst v0  }
0xbd: {  	[tilespmem:$0xBA8] =	vst v0  }
0xbe: {  	[tilespmem:$0xBB8] =	vst v0  }
0xbf: {  	[tilespmem:$0xBC8] =	vst v0  }
0xc0: {  	[tilespmem:$0xBD8] =	vst v0  }
0xc1: {  	[tilespmem:$0xBE8] =	vst v0  }
0xc2: {  	[tilespmem:$0xBF8] =	vst v0  }
0xc3: {  	[tilespmem:$0xC08] =	vst v0  }
0xc4: {  	[tilespmem:$0xC18] =	vst v0  }
0xc5: {  	[tilespmem:$0xC28] =	vst v0  }
0xc6: {  	[tilespmem:$0xC38] =	vst v0  }
0xc7: {  	[tilespmem:$0xC48] =	vst v0  }
0xc8: {  	[tilespmem:$0xC58] =	vst v0  }
0xc9: {  	[tilespmem:$0xC68] =	vst v0  }
0xca: {  	[tilespmem:$0xC78] =	vst v0  }
0xcb: {  	[tilespmem:$0xC88] =	vst v0  }
0xcc: {  	[tilespmem:$0xC98] =	vst v0  }
0xcd: {  	[tilespmem:$0xCA8] =	vst v0  }
0xce: {  	[tilespmem:$0xCB8] =	vst v0  }
0xcf: {  	[tilespmem:$0xCC8] =	vst v0  }
0xd0: {  	[tilespmem:$0xCD8] =	vst v0  }
0xd1: {  	[tilespmem:$0xCE8] =	vst v0  }
0xd2: {  	[tilespmem:$0xCF8] =	vst v0  }
0xd3: {  	[tilespmem:$0xD08] =	vst v0  }
0xd4: {  	[tilespmem:$0xD18] =	vst v0  }
0xd5: {  	[tilespmem:$0xD28] =	vst v0  }
0xd6: {  	[tilespmem:$0xD38] =	vst v0  }
0xd7: {  	[tilespmem:$0xD48] =	vst v0  }
0xd8: {  	[tilespmem:$0xD58] =	vst v0  }
0xd9: {  	[tilespmem:$0xD68] =	vst v0  }
0xda: {  	[tilespmem:$0xD78] =	vst v0  }
0xdb: {  	[tilespmem:$0xD88] =	vst v0  }
0xdc: {  	[tilespmem:$0xD98] =	vst v0  }
0xdd: {  	[tilespmem:$0xDA8] =	vst v0  }
0xde: {  	[tilespmem:$0xDB8] =	vst v0  }
0xdf: {  	[tilespmem:$0xDC8] =	vst v0  }
0xe0: {  	[tilespmem:$0xDD8] =	vst v0  }
0xe1: {  	[tilespmem:$0xDE8] =	vst v0  }
0xe2: {  	[tilespmem:$0xDF8] =	vst v0  }
0xe3: {  	[tilespmem:$0xE08] =	vst v0  }
0xe4: {  	[tilespmem:$0xE18] =	vst v0  }
0xe5: {  	[tilespmem:$0xE28] =	vst v0  }
0xe6: {  	[tilespmem:$0xE38] =	vst v0  }
0xe7: {  	[tilespmem:$0xE48] =	vst v0  }
0xe8: {  	[tilespmem:$0xE58] =	vst v0  }
0xe9: {  	[tilespmem:$0xE68] =	vst v0  }
0xea: {  	[tilespmem:$0xE78] =	vst v0  }
0xeb: {  	[tilespmem:$0xE88] =	vst v0  }
0xec: {  	[tilespmem:$0xE98] =	vst v0  }
0xed: {  	[tilespmem:$0xEA8] =	vst v0  }
0xee: {  	[tilespmem:$0xEB8] =	vst v0  }
0xef: {  	[tilespmem:$0xEC8] =	vst v0  }
0xf0: {  	[tilespmem:$0xED8] =	vst v0  }
0xf1: {  	[tilespmem:$0xEE8] =	vst v0  }
0xf2: {  	[tilespmem:$0xEF8] =	vst v0  }
0xf3: {  	[tilespmem:$0xF08] =	vst v0  }
0xf4: {  	[tilespmem:$0xF18] =	vst v0  }
0xf5: {  	[tilespmem:$0xF28] =	vst v0  }
0xf6: {  	[tilespmem:$0xF38] =	vst v0  }
0xf7: {  	[tilespmem:$0xF48] =	vst v0  }
0xf8: {  	[tilespmem:$0xF58] =	vst v0  }
0xf9: {  	[tilespmem:$0xF68] =	vst v0  }
0xfa: {  	[tilespmem:$0xF78] =	vst v0  }
0xfb: {  	[tilespmem:$0xF88] =	vst v0  }
0xfc: {  	[tilespmem:$0xF98] =	vst v0  }
0xfd: {  	[tilespmem:$0xFA8] =	vst v0  }
0xfe: {  	[tilespmem:$0xFB8] =	vst v0  }
0xff: {  	[tilespmem:$0xFC8] =	vst v0  }
0x100: {  	[tilespmem:$0xFD8] =	vst v0  }
0x101: {  	[tilespmem:$0xFE8] =	vst v0  }
0x102: {  	[tilespmem:$0xFF8] =	vst v0  }
0x103: {  	[tilespmem:$0x1018] =	vst v0  }
0x104: {  	[tilespmem:$0x1098] =	vst v0  }
0x105: {  	[tilespmem:$0x1B28] =	vst v0  }
0x106: {  	[tilespmem:$0x1B18] =	vst v0  }
0x107: {  	[tilespmem:$0x1B08] =	vst v0  }
0x108: {  	[tilespmem:$0x1AF8] =	vst v0  }
0x109: {  	[tilespmem:$0x1AE8] =	vst v0  }
0x10a: {  	[tilespmem:$0x1AD8] =	vst v0  }
0x10b: {  	[tilespmem:$0x1AC8] =	vst v0  }
0x10c: {  	[tilespmem:$0x1AB8] =	vst v0  }
0x10d: {  	[tilespmem:$0x1AA8] =	vst v0  }
0x10e: {  	[tilespmem:$0x1A98] =	vst v0  }
0x10f: {  	[tilespmem:$0x1A88] =	vst v0  }
0x110: {  	[tilespmem:$0x1A78] =	vst v0  }
0x111: {  	[tilespmem:$0x1A68] =	vst v0  }
0x112: {  	[tilespmem:$0x1A58] =	vst v0  }
0x113: {  	[tilespmem:$0x1A48] =	vst v0  }
0x114: {  	[tilespmem:$0x1A38] =	vst v0  }
0x115: {  	[tilespmem:$0x1A28] =	vst v0  }
0x116: {  	[tilespmem:$0x1A18] =	vst v0  }
0x117: {  	[tilespmem:$0x1A08] =	vst v0  }
0x118: {  	[tilespmem:$0x19F8] =	vst v0  }
0x119: {  	[tilespmem:$0x19E8] =	vst v0  }
0x11a: {  	[tilespmem:$0x19D8] =	vst v0  }
0x11b: {  	[tilespmem:$0x19C8] =	vst v0  }
0x11c: {  	[tilespmem:$0x19B8] =	vst v0  }
0x11d: {  	[tilespmem:$0x19A8] =	vst v0  }
0x11e: {  	[tilespmem:$0x1998] =	vst v0  }
0x11f: {  	[tilespmem:$0x1988] =	vst v0  }
0x120: {  	[tilespmem:$0x1978] =	vst v0  }
0x121: {  	[tilespmem:$0x1968] =	vst v0  }
0x122: {  	[tilespmem:$0x1958] =	vst v0  }
0x123: {  	[tilespmem:$0x1948] =	vst v0  }
0x124: {  	[tilespmem:$0x1938] =	vst v0  }
0x125: {  	[tilespmem:$0x1928] =	vst v0  }
0x126: {  	[tilespmem:$0x1918] =	vst v0  }
0x127: {  	[tilespmem:$0x1908] =	vst v0  }
0x128: {  	[tilespmem:$0x18F8] =	vst v0  }
0x129: {  	[tilespmem:$0x18E8] =	vst v0  }
0x12a: {  	[tilespmem:$0x18D8] =	vst v0  }
0x12b: {  	[tilespmem:$0x18C8] =	vst v0  }
0x12c: {  	[tilespmem:$0x18B8] =	vst v0  }
0x12d: {  	[tilespmem:$0x18A8] =	vst v0  }
0x12e: {  	[tilespmem:$0x1898] =	vst v0  }
0x12f: {  	[tilespmem:$0x1888] =	vst v0  }
0x130: {  	[tilespmem:$0x1878] =	vst v0  }
0x131: {  	[tilespmem:$0x1868] =	vst v0  }
0x132: {  	[tilespmem:$0x1858] =	vst v0  }
0x133: {  	[tilespmem:$0x1848] =	vst v0  }
0x134: {  	[tilespmem:$0x1838] =	vst v0  }
0x135: {  	[tilespmem:$0x1828] =	vst v0  }
0x136: {  	[tilespmem:$0x1818] =	vst v0  }
0x137: {  	[tilespmem:$0x1808] =	vst v0  }
0x138: {  	[tilespmem:$0x17F8] =	vst v0  }
0x139: {  	[tilespmem:$0x17E8] =	vst v0  }
0x13a: {  	[tilespmem:$0x17D8] =	vst v0  }
0x13b: {  	[tilespmem:$0x17C8] =	vst v0  }
0x13c: {  	[tilespmem:$0x17B8] =	vst v0  }
0x13d: {  	[tilespmem:$0x17A8] =	vst v0  }
0x13e: {  	[tilespmem:$0x1798] =	vst v0  }
0x13f: {  	[tilespmem:$0x1788] =	vst v0  }
0x140: {  	[tilespmem:$0x1778] =	vst v0  }
0x141: {  	[tilespmem:$0x1768] =	vst v0  }
0x142: {  	[tilespmem:$0x1758] =	vst v0  }
0x143: {  	[tilespmem:$0x1748] =	vst v0  }
0x144: {  	[tilespmem:$0x1738] =	vst v0  }
0x145: {  	[tilespmem:$0x1728] =	vst v0  }
0x146: {  	[tilespmem:$0x1718] =	vst v0  }
0x147: {  	[tilespmem:$0x1708] =	vst v0  }
0x148: {  	[tilespmem:$0x16F8] =	vst v0  }
0x149: {  	[tilespmem:$0x16E8] =	vst v0  }
0x14a: {  	[tilespmem:$0x16D8] =	vst v0  }
0x14b: {  	[tilespmem:$0x16C8] =	vst v0  }
0x14c: {  	[tilespmem:$0x16B8] =	vst v0  }
0x14d: {  	[tilespmem:$0x16A8] =	vst v0  }
0x14e: {  	[tilespmem:$0x1698] =	vst v0  }
0x14f: {  	[tilespmem:$0x1688] =	vst v0  }
0x150: {  	[tilespmem:$0x1678] =	vst v0  }
0x151: {  	[tilespmem:$0x1668] =	vst v0  }
0x152: {  	[tilespmem:$0x1658] =	vst v0  }
0x153: {  	[tilespmem:$0x1648] =	vst v0  }
0x154: {  	[tilespmem:$0x1638] =	vst v0  }
0x155: {  	[tilespmem:$0x1628] =	vst v0  }
0x156: {  	[tilespmem:$0x1618] =	vst v0  }
0x157: {  	[tilespmem:$0x1608] =	vst v0  }
0x158: {  	[tilespmem:$0x15F8] =	vst v0  }
0x159: {  	[tilespmem:$0x15E8] =	vst v0  }
0x15a: {  	[tilespmem:$0x15D8] =	vst v0  }
0x15b: {  	[tilespmem:$0x15C8] =	vst v0  }
0x15c: {  	[tilespmem:$0x15B8] =	vst v0  }
0x15d: {  	[tilespmem:$0x15A8] =	vst v0  }
0x15e: {  	[tilespmem:$0x1598] =	vst v0  }
0x15f: {  	[tilespmem:$0x1588] =	vst v0  }
0x160: {  	[tilespmem:$0x1578] =	vst v0  }
0x161: {  	[tilespmem:$0x1568] =	vst v0  }
0x162: {  	[tilespmem:$0x1558] =	vst v0  }
0x163: {  	[tilespmem:$0x1548] =	vst v0  }
0x164: {  	[tilespmem:$0x1538] =	vst v0  }
0x165: {  	[tilespmem:$0x1528] =	vst v0  }
0x166: {  	[tilespmem:$0x1518] =	vst v0  }
0x167: {  	[tilespmem:$0x1508] =	vst v0  }
0x168: {  	[tilespmem:$0x14F8] =	vst v0  }
0x169: {  	[tilespmem:$0x14E8] =	vst v0  }
0x16a: {  	[tilespmem:$0x14D8] =	vst v0  }
0x16b: {  	[tilespmem:$0x14C8] =	vst v0  }
0x16c: {  	[tilespmem:$0x14B8] =	vst v0  }
0x16d: {  	[tilespmem:$0x14A8] =	vst v0  }
0x16e: {  	[tilespmem:$0x1498] =	vst v0  }
0x16f: {  	[tilespmem:$0x1488] =	vst v0  }
0x170: {  	[tilespmem:$0x1478] =	vst v0  }
0x171: {  	[tilespmem:$0x1468] =	vst v0  }
0x172: {  	[tilespmem:$0x1458] =	vst v0  }
0x173: {  	[tilespmem:$0x1448] =	vst v0  }
0x174: {  	[tilespmem:$0x1438] =	vst v0  }
0x175: {  	[tilespmem:$0x1428] =	vst v0  }
0x176: {  	[tilespmem:$0x1418] =	vst v0  }
0x177: {  	[tilespmem:$0x1408] =	vst v0  }
0x178: {  	[tilespmem:$0x13F8] =	vst v0  }
0x179: {  	[tilespmem:$0x13E8] =	vst v0  }
0x17a: {  	[tilespmem:$0x13D8] =	vst v0  }
0x17b: {  	[tilespmem:$0x13C8] =	vst v0  }
0x17c: {  	[tilespmem:$0x13B8] =	vst v0  }
0x17d: {  	[tilespmem:$0x13A8] =	vst v0  }
0x17e: {  	[tilespmem:$0x1398] =	vst v0  }
0x17f: {  	[tilespmem:$0x1388] =	vst v0  }
0x180: {  	[tilespmem:$0x1378] =	vst v0  }
0x181: {  	[tilespmem:$0x1368] =	vst v0  }
0x182: {  	[tilespmem:$0x1358] =	vst v0  }
0x183: {  	[tilespmem:$0x1348] =	vst v0  }
0x184: {  	[tilespmem:$0x1338] =	vst v0  }
0x185: {  	[tilespmem:$0x1328] =	vst v0  }
0x186: {  	[tilespmem:$0x1318] =	vst v0  }
0x187: {  	[tilespmem:$0x1308] =	vst v0  }
0x188: {  	[tilespmem:$0x12F8] =	vst v0  }
0x189: {  	[tilespmem:$0x12E8] =	vst v0  }
0x18a: {  	[tilespmem:$0x12D8] =	vst v0  }
0x18b: {  	[tilespmem:$0x12C8] =	vst v0  }
0x18c: {  	[tilespmem:$0x12B8] =	vst v0  }
0x18d: {  	[tilespmem:$0x12A8] =	vst v0  }
0x18e: {  	[tilespmem:$0x1298] =	vst v0  }
0x18f: {  	[tilespmem:$0x1288] =	vst v0  }
0x190: {  	[tilespmem:$0x1278] =	vst v0  }
0x191: {  	[tilespmem:$0x1268] =	vst v0  }
0x192: {  	[tilespmem:$0x1258] =	vst v0  }
0x193: {  	[tilespmem:$0x1248] =	vst v0  }
0x194: {  	[tilespmem:$0x1238] =	vst v0  }
0x195: {  	[tilespmem:$0x1228] =	vst v0  }
0x196: {  	[tilespmem:$0x1218] =	vst v0  }
0x197: {  	[tilespmem:$0x1208] =	vst v0  }
0x198: {  	[tilespmem:$0x11F8] =	vst v0  }
0x199: {  	[tilespmem:$0x11E8] =	vst v0  }
0x19a: {  	[tilespmem:$0x11D8] =	vst v0  }
0x19b: {  	[tilespmem:$0x11C8] =	vst v0  }
0x19c: {  	[tilespmem:$0x11B8] =	vst v0  }
0x19d: {  	[tilespmem:$0x11A8] =	vst v0  }
0x19e: {  	[tilespmem:$0x1198] =	vst v0  }
0x19f: {  	[tilespmem:$0x1188] =	vst v0  }
0x1a0: {  	[tilespmem:$0x1178] =	vst v0  }
0x1a1: {  	[tilespmem:$0x1168] =	vst v0  }
0x1a2: {  	[tilespmem:$0x1158] =	vst v0  }
0x1a3: {  	[tilespmem:$0x1148] =	vst v0  }
0x1a4: {  	[tilespmem:$0x1138] =	vst v0  }
0x1a5: {  	[tilespmem:$0x1128] =	vst v0  }
0x1a6: {  	[tilespmem:$0x1118] =	vst v0  }
0x1a7: {  	[tilespmem:$0x1108] =	vst v0  }
0x1a8: {  	[tilespmem:$0x10F8] =	vst v0  }
0x1a9: {  	[tilespmem:$0x10E8] =	vst v0  }
0x1aa: {  	[tilespmem:$0x10D8] =	vst v0  }
0x1ab: {  	[tilespmem:$0x10C8] =	vst v0  }
0x1ac: {  	s5 =	stileid.u32;
	[tilespmem:$0x10B8] =	vst v0  }
0x1ad: {  	s6 =	smul.u32 $0x2010, s5;
	[tilespmem:$0x10A8] =	vst v0  }
0x1ae: {  	[tilespmem:$0x1028] =	vst v0  }
0x1af: {  	s8 =	simm.s32 $0x2;
	s28 =	simm.s32 $0x9;
	[tilespmem:$0x1088] =	vst v0;
	s0 =	smin.u32 s6, $0x1DFF0  }
0x1b0: {  	s11 =	simm.s32 $0xA;
	s29 =	simm.s32 $0xB;
	[tilespmem:$0x1078] =	vst v0;
	s7 =	sadd.s32 $0x2010, s0  }
0x1b1: {  	s16 =	simm.s32 $0x0;
	p4 =	por $0x0, $0x0;
	[tilespmem:$0x1068] =	vst v0;
	s0 =	ssub.s32 s7, s6  }
0x1b2: {  	s17 =	simm.s32 $0xC;
	s21 =	simm.s32 $0x0;
	[tilespmem:$0x1058] =	vst v0;
	p0 =	sgt.s32 s0, $0x0  }
0x1b3: {  	s18 =	simm.s32 $0x0;
	s20 =	simm.s32 $0x0;
	[tilespmem:$0x1048] =	vst v0;
	s0 =	simm.s32 @!p0 $0x0  }
0x1b4: {  	s3 =	sadd.s32 $0x418000, s12;
	s4 =	sand.u32 $0x1, s2;
	[tilespmem:$0x1038] =	vst v0;
	s1 =	smulhi.u32 $0x97B426, s0  }
0x1b5: {  	s9 =	sadd.s32 $0x8000, s12;
	s31 =	sshll.u32 s5, $0x5;
	[tilespmem:$0x1008] =	vst v0;
	[sflag:s8] =	ssyncpa.u1 $0x0  }
0x1b6: {  	v0 =	vimm.s32 $0xFFFFFFFF;
	[dreg:$0x6] =	wrdreg s4;
	s4 =	sshll.u32 s4, $0xE;
	s26 =	smul.u32 $0x1B0, s1  }
.Ltmp0:
0x1b7: {  	[dreg:$0x5] =	wrdreg s31;
	[tilespmem:$0x3648] =	vst v0;
	[sflag:s28] =	ssyncpa.u1 $0x0;
	(pc) =	sbr.rel .LBB2_1-.Ltmp0, $4  }
0x1b8: {  	s30 =	sadd.s32 s4, s12;
	s15 =	sadd.s32 s4, s14;
	p0 =	sne.s32 s0, s26  }
0x1b9: {  	s19 =	smov.u32 s6;
	[dreg:$0x7] =	wrdreg s6;
	s13 =	simm.s32 @!p0 $0x0  }
0x1ba: {  	[sflag:s11] =	ssyncpa.u1 $0x0;
	s8 =	sadd.s32 $0x410000, s30;
	s12 =	sadd.s32 s13, s1  }
0x1bb: {  	v0 =	vlaneseq.u32;
	[sflag:s29] =	ssyncpa.u1 $0x0;
	p0 =	por $0x1, $0x1;
	s5 =	sadd.s32 $0x1, s12  }
.LBB2_18:
0x1bc: {  	s0 =	simm.s32 $0x2  }
0x1bd: {  	_ =	swait.ge [sflag:s0], $0x0  }
0x1be: {  	[sflag:s0] =	ssyncset.done $0x0;
	s0 =	simm.s32 $0x0  }
.LBB2_19:
0x1bf: {  	_ =	swait.ge [sflag:s17], s0  }
0x1c0: {  	s31 =	ssub.s32 $0x0, s0;
	v1 =	vmov s23;
	vm0 =	veq.s32 v0, $0x0;
	[sflag:s17] =	ssyncset.done $0x0  }
0x1c1: {  	vm15 =	veq.s32 v0, $0x2;
	v1 =	vsel vm0, s28, v1;
	[sflag:s17] =	ssyncadd.s32 s31  }
0x1c2: {  	v1 =	vsel vm15, s21, v1;
	[sflag:s17] =	ssyncpa.u1 $0x1  }
0x1c3: {  	[tilespmem:$0x3648] =	vst v1  }
.LBB2_20:
0x1c4: {  	s0 =	sadd.s32 $0x1B0, s19  }
0x1c5: {  	s1 =	smov.u32 s6;
	p1 =	slt.s32 s0, s7  }
0x1c6: {  	s1 =	smov.u32 @p1 s0;
	p1 =	sne.s32 s20, s5  }
.Ltmp1:
0x1c7: {  	_ = 	snop;
	(pc) =	sbr.rel @!p1 .LBB2_21-.Ltmp1, $4  }
0x1c8: {  	_ = 	snop  }
0x1c9: {  	s21 =	smov.u32 s18  }
0x1ca: {  	s31 =	sadd.s32 $0x1, s20;
	s18 =	smov.u32 s19;
	p0 =	por !p0, !p0  }
0x1cb: {  	p4 =	por !p4, !p4;
	s20 =	smov.u32 s31;
	s19 =	smov.u32 s1  }
.LBB2_1:
0x1cc: {  	p2 =	sge.u32 s20, s12  }
0x1cd: {  	s0 =	smulhi.u32 @!p2 $0xAAAAAAAB, s20  }
0x1ce: {  	s1 =	smov.u32 s19;
	p3 =	sgt.s32 @!p2 s19, $0x1FE50  }
0x1cf: {  	s2 =	sshra.s32 @!p2 s19, $0x1F;
	p3 =	por !p3, p2;
	s0 =	sshrl.u32 @!p2 s0, $0x1  }
0x1d0: {  	s2 =	sand.u32 @!p2 s2, s19;
	s1 =	simm.s32 @p3 $0x1FE50;
	s0 =	smul.u32 @!p2 $0x3, s0  }
0x1d1: {  	s1 =	ssub.s32 @!p2 s1, s2  }
0x1d2: {  	s23 =	sadd.s32 $0xFFFFFFFF, s20;
	s1 =	sadd.s32 @!p2 $0xFFFE01B0, s1;
	s0 =	ssub.s32 @!p2 s20, s0  }
0x1d3: {  	s2 =	sshll.u32 @!p2 s1, $0x2;
	p3 =	sgt.s32 @!p2 s1, $0x1AF;
	s0 =	smul.u32 @!p2 $0x6C0, s0  }
0x1d4: {  	s4 =	sand.u32 @!p2 $0x7, s19;
	s1 =	ssub.s32 @!p2 $0x6C0, s2;
	p3 =	por !p3, p2  }
0x1d5: {  	s2 =	sshrl.u32 @!p2 s19, $0x3;
	s1 =	sshrl.u32 @!p2 s1, $0x2;
	s0 =	sshrl.u32 @!p2 s0, $0x2  }
0x1d6: {  	s2 =	sadd.s32 @!p2 s2, s8;
	s1 =	simm.s32 @!p3 $0x0;
	s0 =	sadd.s32 @!p2 $0x3888, s0  }
0x1d7: {  	[tilespmem:s0], [sflag:$0xA] =	stream.linear.gather @!p2 [hbm4b:s2+s4], s1, $0x38;
	[tilespmem:$0x1F0F8] =	vst v63  }
0x1d8: {  	p2 =	sge.u32 s23, s12  }
0x1d9: {  	p3 =	sgt.s32 @!p2 s18, $0x1FE50  }
0x1da: {  	s0 =	smov.u32 s18;
	s1 =	sshra.s32 @!p2 s18, $0x1F;
	p3 =	por !p3, p2  }
0x1db: {  	s1 =	sand.u32 @!p2 s1, s18;
	s0 =	simm.s32 @p3 $0x1FE50  }
0x1dc: {  	s0 =	ssub.s32 @!p2 s0, s1  }
0x1dd: {  	s0 =	sadd.s32 @!p2 $0xFFFE01B0, s0  }
0x1de: {  	s1 =	sshll.u32 @!p2 s0, $0x2  }
0x1df: {  	p3 =	sgt.s32 @!p2 s0, $0x1AF;
	s0 =	ssub.s32 @!p2 $0x6C0, s1  }
0x1e0: {  	s22 =	ssub.s32 @!p2 $0x20000, s18;
	p3 =	por !p3, p2;
	s0 =	sshrl.u32 @!p2 s0, $0x2  }
0x1e1: {  	s1 =	sand.u32 @!p2 $0x1, s23;
	s0 =	simm.s32 @!p3 $0x0;
	p3 =	slt.s32 @!p2 s22, $0x1  }
0x1e2: {  	s2 =	simm.s32 @!p2 $0xA;
	s1 =	smul.u32 @!p2 $0x6C0, s1;
	p3 =	por p2, p3  }
.Ltmp2:
0x1e3: {  	_ =	swait.ge @!p2 [sflag:s2], s0;
	(pc) =	sbr.rel @p3 .LBB2_7-.Ltmp2, $4  }
0x1e4: {  	s4 =	ssub.s32 @!p2 $0x0, s0;
	[sflag:s2] =	ssyncset.done @!p2 $0x0  }
0x1e5: {  	s1 =	sshrl.u32 @!p2 s1, $0x2;
	[sflag:s2] =	ssyncadd.s32 @!p2 s4;
	s2 =	sshrl.u32 @!p2 s18, $0x3  }
0x1e6: {  	s1 =	sadd.s32 @!p2 $0x3D98, s1;
	s4 =	sand.u32 @!p2 $0x7, s18;
	s2 =	sadd.s32 @!p2 s2, s15  }
0x1e7: {  	[tilespmem:s1], [sflag:$0xB] =	stream.linear.gather @!p2 [hbm4b:s2+s4], s0, $0x38;
	[tilespmem:$0x1F0F8] =	vst v63  }
0x1e8: {  	s0 =	smulhi.u32 $0xAAAAAAAB, s23;
	_ =	sdelay $0x1  }
0x1e9: {  	s0 =	sshrl.u32 s0, $0x1  }
0x1ea: {  	s0 =	smul.u32 $0x3, s0;
	_ =	sdelay $0x1  }
0x1eb: {  	s0 =	ssub.s32 s23, s0  }
0x1ec: {  	s1 =	simm.s32 $0x1;
	s0 =	smul.u32 $0x6C0, s0  }
.Ltmp3:
0x1ed: {  	s1 =	simm.s32 @!p0 $0x0;
	(pc) =	sbr.rel .LBB2_4-.Ltmp3, $4  }
0x1ee: {  	s1 =	smul.u32 $0x36000, s1  }
0x1ef: {  	p3 =	slt.s32 @!p2 s22, $0x1B0;
	s0 =	sshrl.u32 s0, $0x2  }
0x1f0: {  	p2 =	por !p3, p2;
	s1 =	sshrl.u32 s1, $0x2;
	s0 =	sadd.s32 $0x3888, s0  }
0x1f1: {  	s24 =	simm.s32 $0x0;
	s22 =	simm.s32 @p2 $0x1B0;
	s23 =	sadd.s32 $0x40F8, s1;
	v1 =	vmov s0  }
.LBB2_3:
0x1f2: {  	p2 =	sge.s32 s24, s22  }
.Ltmp4:
0x1f3: {  	_ = 	snop;
	(pc) =	sbr.rel @p2 .LBB2_7-.Ltmp4, $2  }
0x1f4: {  	_ =	sdelay $0x2  }
0x1f5: {  	s23 =	sadd.s32 $0x800, s23  }
.LBB2_4:
0x1f6: {  	p2 =	sle.s32 s22, s24  }
.Ltmp5:
0x1f7: {  	_ = 	snop;
	(pc) =	sbr.rel @p2 .LBB2_3-.Ltmp5, $2  }
0x1f8: {  	_ =	sdelay $0x2  }
0x1f9: {  	s0 =	smov.u32 s24;
	s24 =	sadd.s32 $0x10, s24  }
0x1fa: {  	s1 =	ssub.s32 s22, s0  }
0x1fb: {  	p2 =	slt.s32 s1, $0x10  }
0x1fc: {  	s1 =	simm.s32 @!p2 $0x10  }
0x1fd: {  	v2 =	vmov s1  }
0x1fe: {  	vm0 =	vgt.s32 v2, v0;
	_ =	sdelay $0x5  }
0x1ff: {  	v2 =	vld.idx.msk [tilespmem:v1+s0+$0x0 ss:$0x1], vm0;
	_ =	sdelay $0x2  }
0x200: {  	p2 =	slt.s32 s24, s22;
	s1 =	smov.u32 s22  }
0x201: {  	s2 =	smov.u32 s23;
	s25 =	simm.s32 $0x0;
	s1 =	smov.u32 @p2 s24  }
.LBB2_6:
0x202: {  	(v2sf) =	vpush v2, s25;
	_ =	sdelay $0xc  }
0x203: {  	s25 =	sadd.s32 $0x1, s25  }
0x204: {  	s31 =	sadd.s32 s25, s0  }
0x205: {  	p2 =	slt.s32 s31, s1;
	s4 =	spop (v2sf)  }
.Ltmp6:
0x206: {  	s4 =	sshll.u32 s4, $0x4;
	(pc) =	sbr.rel @p2 .LBB2_6-.Ltmp6, $4  }
0x207: {  	s4 =	sand.u32 $0x1FFFFFF0, s4  }
0x208: {  	s4 =	sadd.s32 s9, s4  }
0x209: {  	[tilespmem:s2], [sflag:$0x9] =	stream.linear.gather [hbm4b:s4+s16], $0x10, $0x38;
	[tilespmem:$0x1F0F8] =	vst v63  }
0x20a: {  	s2 =	sadd.s32 $0x80, s2  }
.Ltmp7:
0x20b: {  	_ = 	snop;
	(pc) =	sbr.rel .LBB2_3-.Ltmp7, $1  }
0x20c: {  	_ =	sdelay $0x3  }
.LBB2_7:
0x20d: {  	p2 =	slt.u32 s20, $0x2  }
.Ltmp8:
0x20e: {  	_ = 	snop;
	(pc) =	sbr.rel @p2 .LBB2_20-.Ltmp8, $1  }
0x20f: {  	_ =	sdelay $0x3  }
0x210: {  	p2 =	sgt.s32 s21, $0x1FE50  }
0x211: {  	s0 =	smov.u32 s21;
	s1 =	sshra.s32 s21, $0x1F;
	s2 =	ssub.s32 $0x20000, s21  }
0x212: {  	s0 =	simm.s32 @!p2 $0x1FE50;
	s1 =	sand.u32 s1, s21;
	p2 =	slt.s32 s2, $0x1B0  }
0x213: {  	s0 =	ssub.s32 s0, s1;
	s2 =	simm.s32 @!p2 $0x1B0  }
0x214: {  	s0 =	sadd.s32 $0xFFFE01B0, s0;
	s24 =	sshll.u32 s2, $0x4  }
0x215: {  	s28 =	simm.s32 $0x9;
	s25 =	sshll.u32 s0, $0x2;
	s1 =	sand.u32 $0x3FFFFFF0, s24  }
0x216: {  	p2 =	sgt.s32 s0, $0x1AF;
	s26 =	ssub.s32 $0x6C0, s25;
	_ =	swait.ge [sflag:s28], s1  }
0x217: {  	s1 =	ssub.s32 $0x0, s1;
	[sflag:s28] =	ssyncset.done $0x0;
	s0 =	sshrl.u32 s26, $0x2  }
0x218: {  	s30 =	simm.s32 $0xB;
	[sflag:s28] =	ssyncadd.s32 s1;
	s0 =	simm.s32 @p2 $0x0  }
0x219: {  	_ =	swait.ge [sflag:s30], s0  }
0x21a: {  	s0 =	ssub.s32 $0x0, s0;
	[sflag:s30] =	ssyncset.done $0x0  }
0x21b: {  	[sflag:s30] =	ssyncadd.s32 s0  }
0x21c: {  	v1 =	vld [tilespmem:$0x3648];
	_ =	sdelay $0x4  }
0x21d: {  	(v2sf) =	vpush v1, $0x0  }
0x21e: {  	(v2sf) =	vpush v1, $0x1  }
0x21f: {  	(v2sf) =	vpush v1, $0x2;
	_ =	sdelay $0x3  }
0x220: {  	s0 =	sadd.s32 $0x1B0, s21  }
0x221: {  	s1 =	ssub.s32 $0x40000, s21;
	p2 =	slt.s32 s7, s0  }
0x222: {  	s0 =	smov.u32 @p2 s7;
	p2 =	sgt.s32 s1, $0x0  }
0x223: {  	s25 =	ssub.s32 s0, s21;
	s1 =	simm.s32 @!p2 $0x0  }
0x224: {  	p2 =	slt.s32 s1, s25  }
0x225: {  	s25 =	smov.u32 @p2 s1  }
0x226: {  	s24 =	simm.s32 $0x1;
	p2 =	slt.s32 s25, $0x1  }
.Ltmp9:
0x227: {  	s24 =	simm.s32 @!p4 $0x0;
	(pc) =	sbr.rel @p2 .LBB2_12-.Ltmp9, $4  }
0x228: {  	s31 =	smul.u32 $0x6C0, s24  }
0x229: {  	s26 =	spop (v2sf)  }
0x22a: {  	s0 =	sshrl.u32 s31, $0x2;
	s29 =	spop (v2sf)  }
0x22b: {  	s22 =	sadd.s32 $0x3D98, s0;
	s21 =	spop (v2sf)  }
0x22c: {  	s0 =	smin.u32 s25, $0x10  }
0x22d: {  	v1 =	vmov s0  }
0x22e: {  	p3 =	sgt.s32 s25, $0x10;
	vm1 =	vgt.u32 v1, v0  }
.Ltmp10:
0x22f: {  	_ = 	snop;
	(pc) =	sbr.rel @!p3 .LBB2_11-.Ltmp10, $2  }
0x230: {  	_ =	sdelay $0x2  }
0x231: {  	s23 =	simm.s32 $0x10;
	s28 =	sadd.s32 $0xFFFFFFF0, s25;
	s0 =	smov.u32 s22;
	vm0 =	vmmov vm1  }
.LBB2_10:
0x232: {  	s1 =	smin.u32 s28, $0x10;
	s23 =	sadd.s32 $0x10, s23;
	v1 =	vld.msk [tilespmem:s0+$0x0 ss:$0x1], vm1  }
0x233: {  	v2 =	vmov s1;
	p3 =	slt.s32 s23, s25  }
0x234: {  	vm1 =	vgt.u32 v2, v0  }
.Ltmp11:
0x235: {  	(pc) =	sbr.rel @p3 .LBB2_10-.Ltmp11, $3  }
0x236: {  	_ =	sdelay $0x1  }
0x237: {  	v1 =	vshll.u32 v1, $0x4  }
0x238: {  	s28 =	sadd.s32 $0xFFFFFFF0, s28;
	[tilespmem:s0+$0x0] =	vst.msk vm0, v1;
	s0 =	sadd.s32 $0x10, s0;
	vm0 =	vmmov vm1  }
.LBB2_11:
0x239: {  	_ =	sdelay $0x4  }
0x23a: {  	v1 =	vld.msk [tilespmem:s0+$0x0 ss:$0x1], vm1;
	_ =	sdelay $0x4  }
0x23b: {  	v1 =	vshll.u32 v1, $0x4  }
0x23c: {  	[tilespmem:s0+$0x0] =	vst.msk vm0, v1  }
.LBB2_12:
0x23d: {  	s0 =	sand.u32 $0x1, s20  }
0x23e: {  	s0 =	smul.u32 $0x1B0, s0  }
0x23f: {  	p3 =	sne.s32 s29, $0xFFFFFFFF  }
0x240: {  	v1 =	vld.msk @!p3 [tilespmem:s0+$0x3D98], $0x1;
	_ =	sdelay $0x4  }
0x241: {  	(v2sf) =	vpush @!p3 v1, $0x0;
	_ =	sdelay $0xc  }
.Ltmp12:
0x242: {  	_ = 	snop;
	(pc) =	sbr.rel @p2 .LBB2_18-.Ltmp12, $4  }
0x243: {  	_ = 	snop  }
0x244: {  	s28 =	spop @!p3 (v2sf)  }
0x245: {  	s21 =	simm.s32 @!p3 $0x0;
	s23 =	smov.u32 s28  }
0x246: {  	[sflag:s17] =	ssyncpa.u1 $0x0;
	s28 =	smov.u32 @p3 s26;
	s23 =	smov.u32 @p3 s29  }
0x247: {  	v1 =	vld.msk [tilespmem:s22+$0x0], $0x1;
	_ =	sdelay $0x4  }
0x248: {  	(v2sf) =	vpush v1, $0x0;
	_ =	sdelay $0xe  }
0x249: {  	s0 =	simm.s32 @!p4 $0x0;
	s26 =	smul.u32 $0x36000, s24;
	s31 =	spop (v2sf)  }
0x24a: {  	s29 =	ssub.s32 $0x0, s25;
	s0 =	simm.s32 @p4 $0x1;
	p2 =	seq.s32 s28, s31  }
0x24b: {  	s1 =	smov.u32 s28;
	[smem:$0x7FD] =	sst s0;
	p3 =	sgt.s32 @!p2 s28, $0x0  }
0x24c: {  	s0 =	sshrl.u32 s26, $0x2;
	s26 =	sadd.s32 $0x1, s29;
	p3 =	por !p3, p2  }
0x24d: {  	s1 =	simm.s32 @p3 $0x0;
	p3 =	seq.s32 s26, $0x0  }
.Ltmp13:
0x24e: {  	_ = 	snop;
	(pc) =	sbr.rel @p3 .LBB2_15-.Ltmp13, $4  }
0x24f: {  	s6 =	smov.u32 s5;
	s14 =	smov.u32 s8;
	s25 =	simm.s32 $0x0  }
0x250: {  	s24 =	sadd.s32 $0x40F8, s0;
	s0 =	simm.s32 @!p2 $0x1;
	s2 =	smin.u32 @!p2 s1, $0xFFFFFE  }
0x251: {  	s30 =	sadd.s32 $0x1, s22;
	s0 =	smov.u32 @p2 s25;
	s4 =	sand.u32 @!p2 $0xFFFFF8, s2  }
0x252: {  	s1 =	simm.s32 @!p2 $0x1B38;
	s2 =	sand.u32 @!p2 $0x7, s2;
	s4 =	sadd.s32 @!p2 s3, s4  }
.LBB2_14:
0x253: {  	s5 =	smov.u32 s0  }
0x254: {  	[tilespmem:s1], [sflag:$0x2] =	stream.linear.gather @!p2 [hbm4b:s4+s2], $0x10, $0x38;
	[tilespmem:$0x1F0F8] =	vst v63  }
0x255: {  	s26 =	sadd.s32 $0x1, s26;
	s2 =	smov.u32 s31;
	v1 =	vld.msk [tilespmem:s30+$0x0], $0x1  }
0x256: {  	p3 =	seq.s32 s26, $0x0;
	_ =	sdelay $0x3  }
0x257: {  	(v2sf) =	vpush v1, $0x0;
	_ =	sdelay $0xe  }
0x258: {  	s31 =	spop (v2sf)  }
0x259: {  	p2 =	seq.s32 s2, s31  }
0x25a: {  	p4 =	sgt.s32 @!p2 s2, $0x0;
	s1 =	sshll.u32 @!p2 s0, $0x6;
	s0 =	sadd.s32 @!p2 $0x1, s0  }
.Ltmp14:
0x25b: {  	p4 =	por !p4, p2;
	s1 =	sshra.s32 @!p2 s1, $0x2;
	(pc) =	sbr.rel @!p3 .LBB2_14-.Ltmp14, $4  }
0x25c: {  	s0 =	smov.u32 @p2 s5;
	s2 =	simm.s32 @p4 $0x0;
	s1 =	sadd.s32 @!p2 $0x1B38, s1  }
0x25d: {  	s2 =	smin.u32 @!p2 s2, $0xFFFFFE  }
0x25e: {  	s4 =	sand.u32 @!p2 $0xFFFFF8, s2;
	s2 =	sand.u32 @!p2 $0x7, s2  }
0x25f: {  	s30 =	sadd.s32 $0x1, s30;
	s4 =	sadd.s32 @!p2 s3, s4  }
.LBB2_15:
0x260: {  	[tilespmem:s1], [sflag:$0x2] =	stream.linear.gather @!p2 [hbm4b:s4+s2], $0x10, $0x38;
	[tilespmem:$0x1F0F8] =	vst v63  }
0x261: {  	s0 =	sshll.u32 s0, $0x4  }
0x262: {  	s31 =	simm.s32 $0x2;
	s0 =	sand.u32 $0x3FFFFFF0, s0  }
0x263: {  	_ =	swait.ge [sflag:s31], s0  }
0x264: {  	s0 =	ssub.s32 $0x0, s0;
	[sflag:s31] =	ssyncset.done $0x0  }
0x265: {  	[sflag:s31] =	ssyncadd.s32 s0  }
0x266: {  	v1 =	vld.msk [tilespmem:s22+$0x0], $0x1;
	_ =	sdelay $0x4  }
0x267: {  	(v2sf) =	vpush v1, $0x0;
	_ =	sdelay $0xe  }
0x268: {  	s26 =	spop (v2sf)  }
0x269: {  	p2 =	sne.s32 s28, s26  }
0x26a: {  	p4 =	sne.s32 @p2 s28, s23  }
0x26b: {  	p3 =	por !p4, !p2  }
0x26c: {  	s0 =	simm.s32 @!p3 $0x0  }
0x26d: {  	v1 =	vld @!p3 [tilespmem:s0+$0x1B38]  }
0x26e: {  	p5 =	sgt.u32 @!p3 s28, $0xFFFFFE  }
0x26f: {  	s1 =	sshll.u32 @!p3 s21, $0x6;
	p6 =	por @p2 p5, !p4  }
0x270: {  	s1 =	sshra.s32 @!p3 s1, $0x2;
	p1 =	por p6, !p2;
	p6 =	por p4, !p2  }
0x271: {  	s2 =	sadd.s32 @!p3 $0x28, s1;
	s4 =	sand.u32 @!p1 $0xFFFFF8, s28;
	s5 =	sshll.u32 @!p6 s21, $0x6  }
0x272: {  	s28 =	sand.u32 @!p1 $0x7, s28;
	[tilespmem:s1+$0x28] =	vst.add.f32.msk @!p3 $0xffff, v1;
	s1 =	sadd.s32 @!p1 s3, s4;
	s4 =	sshra.s32 @!p6 s5, $0x2  }
0x273: {  	[hbm4b:s1+s28] =	stream.linear.scatter @!p1 [tilespmem:s2], [sflag:$0xC], $0x10, $0x38;
	[tilespmem:$0x1F0F8] =	vst v63  }
0x274: {  	s0 =	rddreg [dreg:$0x5];
	s1 =	sadd.s32 @!p6 $0x28, s4;
	s2 =	simm.s32 @!p6 $0x1  }
0x275: {  	[spmem:s0] =	stream.linear.scatter @!p6 [tilespmem:s1], [sflag:$0x1], $0x10, $0x38;
	[tilespmem:$0x1F0F8] =	vst v63  }
0x276: {  	s0 =	sadd.s32 @p2 $0x1, s21;
	_ =	swait.ge @!p6 [sflag:s2], $0x10  }
0x277: {  	s1 =	sshrl.u32 @p2 s0, $0x4;
	[sflag:s2] =	ssyncset.done @!p6 $0x0  }
0x278: {  	s1 =	smulhi.u32 @p2 $0x97B425F, s1;
	[sflag:s2] =	ssyncadd.s32 @!p6 $0xFFFFFFF0  }
0x279: {  	s28 =	sadd.s32 $0x1, s29;
	v1 =	vld @p2 [tilespmem:s24+$0x0]  }
0x27a: {  	p1 =	por @p2 !p5, !p4;
	p4 =	seq.s32 s28, $0x0;
	s1 =	smul.u32 @p2 $0x1B0, s1  }
.Ltmp15:
0x27b: {  	p1 =	por !p1, !p2;
	s2 =	simm.s32 @!p3 $0x0;
	(pc) =	sbr.rel @p4 .LBB2_17-.Ltmp15, $4  }
0x27c: {  	s4 =	sshll.u32 @!p2 s21, $0x6;
	s2 =	simm.s32 @!p1 $0x40;
	s0 =	ssub.s32 @p2 s0, s1  }
0x27d: {  	s29 =	simm.s32 $0x0;
	s2 =	sadd.s32 @!p3 $0x0, s2;
	s5 =	sshll.u32 @p2 s0, $0x4  }
0x27e: {  	s30 =	sshra.s32 @!p2 s4, $0x2;
	s1 =	simm.s32 @p2 $0x1;
	s2 =	smov.u32 @p3 s25;
	[tilespmem:s5+$0x28] =	vst @p2 v1  }
0x27f: {  	s21 =	smov.u32 @p2 s0;
	s29 =	smov.u32 @p2 s2;
	s25 =	smov.u32 @p2 s1;
	v1 =	vld @!p2 [tilespmem:s24+$0x0]  }
.LBB2_16:
0x280: {  	_ =	sdelay $0x3  }
0x281: {  	s22 =	sadd.s32 $0x1, s22;
	[tilespmem:s30+$0x28] =	vst.add.f32.msk @!p2 $0xffff, v1  }
0x282: {  	v1 =	vld.msk [tilespmem:s22+$0x0], $0x1;
	_ =	sdelay $0x4  }
0x283: {  	(v2sf) =	vpush v1, $0x0;
	_ =	sdelay $0xe  }
0x284: {  	s0 =	smov.u32 s26;
	s26 =	spop (v2sf)  }
0x285: {  	p2 =	sne.s32 s0, s26  }
0x286: {  	p5 =	sne.s32 @p2 s0, s23  }
0x287: {  	s4 =	sshll.u32 @!p2 s21, $0x6;
	p4 =	por !p5, !p2  }
0x288: {  	s30 =	sshra.s32 @!p2 s4, $0x2;
	s4 =	sshll.u32 @!p4 s25, $0x6  }
0x289: {  	s4 =	sshra.s32 @!p4 s4, $0x2  }
0x28a: {  	p1 =	sgt.u32 @!p4 s0, $0xFFFFFE;
	v1 =	vld @!p4 [tilespmem:s4+$0x1B38]  }
0x28b: {  	s31 =	sshll.u32 @!p4 s21, $0x6;
	p6 =	por @p2 p1, !p5;
	p1 =	por @p2 !p1, !p5  }
0x28c: {  	s8 =	simm.s32 @!p4 $0x0;
	s31 =	sshra.s32 @!p4 s31, $0x2;
	p1 =	por !p1, !p2  }
0x28d: {  	p5 =	por p5, !p2;
	s8 =	simm.s32 @!p1 $0x40;
	p1 =	por p6, !p2  }
0x28e: {  	s4 =	sadd.s32 @!p4 $0x28, s31;
	s13 =	sshll.u32 @!p5 s21, $0x6;
	s11 =	sand.u32 @!p1 $0xFFFFF8, s0  }
0x28f: {  	s13 =	sshra.s32 @!p5 s13, $0x2;
	s0 =	sand.u32 @!p1 $0x7, s0;
	s11 =	sadd.s32 @!p1 s3, s11;
	[tilespmem:s31+$0x28] =	vst.add.f32.msk @!p4 $0xffff, v1  }
0x290: {  	[hbm4b:s11+s0] =	stream.linear.scatter @!p1 [tilespmem:s4], [sflag:$0xC], $0x10, $0x38;
	[tilespmem:$0x1F0F8] =	vst v63  }
0x291: {  	s1 =	rddreg [dreg:$0x5];
	s0 =	sadd.s32 @!p5 $0x28, s13;
	s4 =	simm.s32 @!p5 $0x1  }
0x292: {  	[spmem:s1] =	stream.linear.scatter @!p5 [tilespmem:s0], [sflag:$0x1], $0x10, $0x38;
	[tilespmem:$0x1F0F8] =	vst v63  }
0x293: {  	s2 =	sadd.s32 @p2 $0x1, s21;
	_ =	swait.ge @!p5 [sflag:s4], $0x10  }
0x294: {  	s5 =	sshrl.u32 @p2 s2, $0x4;
	[sflag:s4] =	ssyncset.done @!p5 $0x0  }
0x295: {  	s24 =	sadd.s32 $0x80, s24;
	s5 =	smulhi.u32 @p2 $0x97B425F, s5;
	[sflag:s4] =	ssyncadd.s32 @!p5 $0xFFFFFFF0  }
0x296: {  	s28 =	sadd.s32 $0x1, s28;
	v1 =	vld @p2 [tilespmem:s24+$0x0]  }
0x297: {  	p3 =	seq.s32 s28, $0x0;
	s5 =	smul.u32 @p2 $0x1B0, s5  }
.Ltmp16:
0x298: {  	_ = 	snop;
	(pc) =	sbr.rel @!p3 .LBB2_16-.Ltmp16, $4  }
0x299: {  	s2 =	ssub.s32 @p2 s2, s5  }
0x29a: {  	s8 =	sadd.s32 @!p4 s8, s29;
	s5 =	sshll.u32 @p2 s2, $0x4  }
0x29b: {  	s10 =	sadd.s32 @p2 $0x1, s25;
	s8 =	smov.u32 @p4 s29;
	[tilespmem:s5+$0x28] =	vst @p2 v1  }
0x29c: {  	s25 =	smov.u32 @p2 s10;
	s21 =	smov.u32 @p2 s2;
	s29 =	smov.u32 @p2 s8;
	v1 =	vld @!p2 [tilespmem:s24+$0x0]  }
.LBB2_17:
.Ltmp17:
0x29d: {  	_ = 	snop;
	(pc) =	sbr.rel .LBB2_19-.Ltmp17, $3  }
0x29e: {  	s1 =	sld [smem:$0x7FD];
	_ =	sdelay $0x1  }
0x29f: {  	s0 =	sshrl.u32 s29, $0x2;
	s28 =	smov.u32 s26;
	s8 =	smov.u32 s14  }
0x2a0: {  	s5 =	smov.u32 s6;
	s6 =	rddreg [dreg:$0x7];
	p4 =	seq.s32 s1, $0x1;
	[tilespmem:s30+$0x28] =	vst.add.f32.msk @!p2 $0xffff, v1  }
.LBB2_21:
0x2a1: {  	_ =	sfence.sel $0x180000  }
0x2a2: {  	s0 =	simm.s32 $0x9;
	[bflag:$0x0] =	sbarrier.arrive $0xFFFF  }
0x2a3: {  	s24 =	simm.s32 $0xA;
	[sflag:s0] =	ssyncpa.u1 $0x1  }
0x2a4: {  	s25 =	simm.s32 $0xB;
	[sflag:s24] =	ssyncpa.u1 $0x1  }
0x2a5: {  	s26 =	simm.s32 $0x2;
	[sflag:s25] =	ssyncpa.u1 $0x1  }
0x2a6: {  	[sflag:s26] =	ssyncpa.u1 $0x1  }
0x2a7: {  	v0 =	vld [tilespmem:$0x3648];
	_ =	sdelay $0x4  }
0x2a8: {  	(v2sf) =	vpush v0, $0x0  }
0x2a9: {  	(v2sf) =	vpush v0, $0x1;
	_ =	sdelay $0x1  }
0x2aa: {  	(v2sf) =	vpush v0, $0x2;
	_ =	sdelay $0xb  }
0x2ab: {  	s0 =	spop (v2sf)  }
0x2ac: {  	s1 =	spop (v2sf)  }
0x2ad: {  	s2 =	smov.u32 s0;
	p0 =	sne.s32 s0, s1  }
0x2ae: {  	s4 =	spop (v2sf);
	s2 =	simm.s32 @!p0 $0xFFFFFFFF  }
0x2af: {  	v2 =	vimm.s32 $0x1;
	v3 =	vlaneseq.u32;
	p0 =	seq.s32 s4, $0xFFFFFFFF;
	v1 =	vmov s2  }
0x2b0: {  	s16 =	stileid.u32;
	v0 =	vperm.xlane v0, v2;
	p1 =	sne.s32 @!p0 s0, s1;
	v1 =	vperm.xlane v1, v3  }
0x2b1: {  	vm0 =	vcmask $0x3F04;
	s6 =	simm.s32 $0x3648;
	s0 =	simm.s32 @!p0 $0x1;
	p1 =	por !p1, p0  }
0x2b2: {  	s2 =	sshll.u32 s16, $0x1;
	s1 =	sshll.u32 @!p0 s4, $0x6;
	s0 =	simm.s32 @p1 $0x0;
	v0 =	vsel vm0, v1, v0  }
0x2b3: {  	s5 =	sor.u32 $0x200, s2;
	s1 =	sshra.s32 @!p0 s1, $0x2;
	s0 =	sor.u32 @!p0 s0, s2;
	[tilespmem:$0x3648] =	vst v0  }
0x2b4: {  	[spmem:s5] =	stream.linear.scatter [tilespmem:s6], [sflag:$0x1], $0x2, $0x38;
	[tilespmem:$0x1F0F8] =	vst v63  }
0x2b5: {  	s1 =	sadd.s32 @!p0 $0x28, s1;
	s0 =	sshll.u32 @!p0 s0, $0x4  }
0x2b6: {  	[spmem:s0] =	stream.linear.scatter @!p0 [tilespmem:s1], [sflag:$0x1], $0x10, $0x38;
	[tilespmem:$0x1F0F8] =	vst v63  }
0x2b7: {  	s0 =	simm.s32 @!p0 $0x12  }
0x2b8: {  	s28 =	simm.s32 $0x1;
	s0 =	simm.s32 @p0 $0x2  }
0x2b9: {  	_ =	swait.ge [sflag:s28], s0  }
0x2ba: {  	s0 =	ssub.s32 $0x0, s0;
	[sflag:s28] =	ssyncset.done $0x0  }
0x2bb: {  	p0 =	sne.s32 s16, $0x0;
	[sflag:s28] =	ssyncadd.s32 s0  }
.Ltmp18:
0x2bc: {  	_ =	sfence.stream.spmem;
	(pc) =	sbr.rel @p0 .LBB2_38-.Ltmp18, $4  }
0x2bd: {  	s29 =	simm.s32 $0x3;
	[bflag:$0x0] =	sbarrier.arrive $0xFFFF  }
0x2be: {  	s30 =	simm.s32 $0x4;
	[sflag:s29] =	ssyncpa.u1 $0x1  }
0x2bf: {  	s31 =	simm.s32 $0x3C;
	[sflag:s30] =	ssyncpa.u1 $0x1  }
0x2c0: {  	s17 =	rddreg [dreg:$0x6];
	[sflag:s31] =	ssyncpa.u1 $0x1  }
0x2c1: {  	_ =	sfence.stream.spmem;
	s0 =	simm.s32 $0x5  }
0x2c2: {  	s1 =	simm.s32 $0x200;
	s2 =	simm.s32 $0x3658;
	[sflag:s0] =	ssyncpa.u1 $0x0  }
0x2c3: {  	[tilespmem:s2], [sflag:$0x5] =	stream.linear.gather [spmem:s1], $0x20, $0x38;
	[tilespmem:$0x1F0F8] =	vst v63  }
0x2c4: {  	s26 =	simm.s32 $0x0;
	s28 =	simm.s32 $0x3678  }
0x2c5: {  	[tilespmem:s28], [sflag:$0x5] =	stream.linear.gather [spmem:s26], $0x200, $0x38;
	[tilespmem:$0x1F0F8] =	vst v63  }
0x2c6: {  	_ =	swait.ge [sflag:s0], $0x220  }
0x2c7: {  	[sflag:s0] =	ssyncset.done $0x0  }
0x2c8: {  	s29 =	simm.s32 $0x0;
	[sflag:s0] =	ssyncadd.s32 $0xFFFFFDE0  }
0x2c9: {  	v0 =	vld.msk [tilespmem:s29+$0x3658], $0x1;
	_ =	sdelay $0x1  }
0x2ca: {  	s30 =	simm.s32 $0x1  }
0x2cb: {  	v1 =	vld.msk [tilespmem:s30+$0x3658], $0x1;
	_ =	sdelay $0x1  }
0x2cc: {  	(v2sf) =	vpush v0, $0x0;
	_ =	sdelay $0x2  }
0x2cd: {  	(v2sf) =	vpush v1, $0x0;
	_ =	sdelay $0x2  }
0x2ce: {  	s31 =	simm.s32 $0x2  }
0x2cf: {  	v0 =	vld.msk [tilespmem:s31+$0x3658], $0x1;
	_ =	sdelay $0x2  }
0x2d0: {  	s6 =	simm.s32 $0xFFFFFFFF;
	s1 =	simm.s32 $0xFFFFFFFF;
	s0 =	simm.s32 $0xC  }
.LBB2_23:
0x2d1: {  	s2 =	smov.u32 s6;
	s4 =	smov.u32 s1  }
0x2d2: {  	s1 =	sshra.s32 s0, $0x2;
	p1 =	sne.s32 s0, $0x7C;
	s0 =	sadd.s32 $0x4, s0;
	(v2sf) =	vpush v0, $0x0  }
0x2d3: {  	v0 =	vld.msk [tilespmem:s1+$0x3658], $0x1  }
.Ltmp19:
0x2d4: {  	(pc) =	sbr.rel @p1 .LBB2_23-.Ltmp19, $4  }
0x2d5: {  	s6 =	spop (v2sf)  }
0x2d6: {  	p2 =	sne.s32 s4, $0xFFFFFFFF;
	s1 =	smov.u32 s6  }
0x2d7: {  	p3 =	seq.s32 s6, $0xFFFFFFFF;
	s1 =	smov.u32 @p2 s4  }
0x2d8: {  	s6 =	smov.u32 @p3 s2;
	s1 =	smov.u32 @p3 s4  }
0x2d9: {  	(v2sf) =	vpush v0, $0x0;
	_ =	sdelay $0x8  }
0x2da: {  	s0 =	spop (v2sf)  }
0x2db: {  	p1 =	sne.s32 s1, $0xFFFFFFFF;
	s2 =	smov.u32 s0  }
0x2dc: {  	s9 =	simm.s32 $0x6;
	p2 =	seq.s32 s0, $0xFFFFFFFF;
	s2 =	smov.u32 @p1 s1  }
0x2dd: {  	s10 =	simm.s32 $0x3638;
	s2 =	smov.u32 @p2 s1;
	s1 =	spop (v2sf)  }
0x2de: {  	s0 =	smov.u32 @p2 s6;
	p1 =	sne.s32 s2, $0xFFFFFFFF;
	s4 =	smov.u32 s1  }
.Ltmp20:
0x2df: {  	p2 =	seq.s32 s1, $0xFFFFFFFF;
	s4 =	smov.u32 @p1 s2;
	(pc) =	sbr.rel .LBB2_25-.Ltmp20, $4  }
0x2e0: {  	s11 =	simm.s32 $0x0;
	s4 =	smov.u32 @p2 s2;
	s7 =	spop (v2sf)  }
0x2e1: {  	[sflag:s9] =	ssyncpa.u1 $0x0;
	p1 =	sne.s32 s4, $0xFFFFFFFF;
	s8 =	smov.u32 s7  }
0x2e2: {  	s1 =	smov.u32 @p2 s0;
	p2 =	seq.s32 s7, $0xFFFFFFFF;
	s8 =	smov.u32 @p1 s4  }
0x2e3: {  	s6 =	simm.s32 $0x0;
	s7 =	smov.u32 @p2 s1;
	s8 =	smov.u32 @p2 s4  }
.LBB2_30:
0x2e4: {  	p1 =	sgt.u32 s12, $0xFFFFFE  }
0x2e5: {  	p2 =	seq.s32 @!p1 s12, s8  }
0x2e6: {  	p1 =	por p1, p2  }
0x2e7: {  	p2 =	sne.s32 @!p1 s12, s7  }
0x2e8: {  	p1 =	por p1, !p2  }
0x2e9: {  	s0 =	sshll.u32 @p1 s11, $0x6  }
0x2ea: {  	s0 =	sand.u32 @!p1 $0xFFFFF8, s12  }
0x2eb: {  	s1 =	sand.u32 @!p1 $0x7, s12;
	s0 =	sadd.s32 @!p1 s3, s0  }
0x2ec: {  	[tilespmem:s10], [sflag:$0x6] =	stream.linear.gather @!p1 [hbm4b:s0+s1], $0x10, $0x38;
	[tilespmem:$0x1F0F8] =	vst v63  }
0x2ed: {  	_ =	swait.ge @!p1 [sflag:s9], $0x10  }
0x2ee: {  	[sflag:s9] =	ssyncset.done @!p1 $0x0  }
0x2ef: {  	[sflag:s9] =	ssyncadd.s32 @!p1 $0xFFFFFFF0  }
0x2f0: {  	v1 =	vld @!p1 [tilespmem:$0x3638];
	_ =	sdelay $0x2  }
0x2f1: {  	s0 =	sshll.u32 @!p1 s11, $0x6  }
0x2f2: {  	s1 =	sshrl.u32 @!p1 s0, $0x2  }
0x2f3: {  	[tilespmem:s1+$0x3678] =	vst.add.f32.msk @!p1 $0xffff, v1  }
0x2f4: {  	s0 =	sshrl.u32 s0, $0x2;
	[tilespmem:s6+$0x3658] =	vst.msk $0x1, v0  }
0x2f5: {  	v0 =	vld [tilespmem:s0+$0x3678];
	_ =	sdelay $0x2  }
0x2f6: {  	s31 =	sshll.u32 s6, $0x6  }
0x2f7: {  	s0 =	sshra.s32 s31, $0x2  }
0x2f8: {  	s6 =	sadd.s32 $0x1, s6;
	[tilespmem:s0+$0x3678] =	vst v0  }
.LBB2_32:
0x2f9: {  	s11 =	sadd.s32 $0x1, s11  }
0x2fa: {  	p1 =	sne.s32 s11, $0x20  }
.Ltmp21:
0x2fb: {  	_ = 	snop;
	(pc) =	sbr.rel @!p1 .LBB2_33-.Ltmp21, $1  }
0x2fc: {  	_ =	sdelay $0x3  }
.LBB2_25:
0x2fd: {  	v0 =	vld.msk [tilespmem:s11+$0x3658], $0x1;
	_ =	sdelay $0x4  }
0x2fe: {  	(v2sf) =	vpush v0, $0x0;
	_ =	sdelay $0xe  }
0x2ff: {  	s12 =	spop (v2sf)  }
0x300: {  	p1 =	seq.s32 s12, $0xFFFFFFFF  }
.Ltmp22:
0x301: {  	_ = 	snop;
	(pc) =	sbr.rel @p1 .LBB2_32-.Ltmp22, $1  }
0x302: {  	_ =	sdelay $0x3  }
0x303: {  	p1 =	slt.s32 s6, $0x1  }
.Ltmp23:
0x304: {  	_ = 	snop;
	(pc) =	sbr.rel @p1 .LBB2_30-.Ltmp23, $1  }
0x305: {  	_ =	sdelay $0x3  }
0x306: {  	s13 =	simm.s32 $0x3658;
	p1 =	por $0x0, $0x0  }
0x307: {  	v1 =	vld.msk @!p1 [tilespmem:s13+$0x0], $0x1;
	_ =	sdelay $0x4  }
0x308: {  	(v2sf) =	vpush @!p1 v1, $0x0;
	_ =	sdelay $0xd  }
0x309: {  	p3 =	sne.s32 s6, $0x1  }
.Ltmp24:
0x30a: {  	s0 =	spop @!p1 (v2sf);
	(pc) =	sbr.rel @!p3 .LBB2_29-.Ltmp24, $4  }
0x30b: {  	p2 =	seq.s32 @!p1 s12, s0  }
0x30c: {  	s14 =	simm.s32 $0x0;
	p2 =	por !p2, p1  }
0x30d: {  	s0 =	simm.s32 $0xFFFFFFFF;
	s14 =	simm.s32 @p2 $0xFFFFFFFF  }
0x30e: {  	s15 =	simm.s32 $0x1;
	s14 =	smov.u32 @p1 s0  }
.LBB2_28:
0x30f: {  	s0 =	smov.u32 s14;
	p1 =	sne.s32 s14, $0xFFFFFFFF  }
0x310: {  	s13 =	sadd.s32 $0x1, s13;
	s14 =	smov.u32 s15;
	s15 =	sadd.s32 $0x1, s15  }
0x311: {  	p2 =	sne.s32 s6, s15;
	v1 =	vld.msk @!p1 [tilespmem:s13+$0x0], $0x1;
	_ =	sdelay $0x4  }
0x312: {  	(v2sf) =	vpush @!p1 v1, $0x0;
	_ =	sdelay $0xe  }
.Ltmp25:
0x313: {  	s1 =	spop @!p1 (v2sf);
	(pc) =	sbr.rel @p2 .LBB2_28-.Ltmp25, $4  }
0x314: {  	p3 =	seq.s32 @!p1 s12, s1  }
0x315: {  	p3 =	por !p3, p1  }
0x316: {  	s14 =	simm.s32 @p3 $0xFFFFFFFF  }
0x317: {  	s14 =	smov.u32 @p1 s0  }
.LBB2_29:
0x318: {  	p1 =	sne.s32 s14, $0xFFFFFFFF  }
.Ltmp26:
0x319: {  	_ = 	snop;
	(pc) =	sbr.rel @!p1 .LBB2_30-.Ltmp26, $1  }
0x31a: {  	_ =	sdelay $0x3  }
0x31b: {  	s0 =	sshll.u32 s11, $0x4  }
0x31c: {  	s0 =	sand.u32 $0x3FFFFFF0, s0  }
0x31d: {  	v0 =	vld [tilespmem:s0+$0x3678]  }
.Ltmp27:
0x31e: {  	_ = 	snop;
	(pc) =	sbr.rel .LBB2_32-.Ltmp27, $4  }
0x31f: {  	_ = 	snop  }
0x320: {  	s31 =	sshll.u32 s14, $0x6  }
0x321: {  	s0 =	sshra.s32 s31, $0x2  }
0x322: {  	[tilespmem:s0+$0x3678] =	vst.add.f32.msk $0xffff, v0  }
.LBB2_33:
0x323: {  	s0 =	simm.s32 $0x6;
	p1 =	seq.s32 s6, $0x0  }
0x324: {  	[sflag:s0] =	ssyncpa.u1 $0x1;
	v0 =	vimm.s32 @p1 $0xFFFFFFFF  }
0x325: {  	s9 =	sadd.s32 $0xFFFFFFFF, s6;
	[tilespmem:$0x3878] =	vst @p1 v0  }
0x326: {  	v0 =	vld.msk @!p1 [tilespmem:s9+$0x3658], $0x1;
	_ =	sdelay $0x1  }
0x327: {  	v1 =	vld.msk @!p1 [tilespmem:$0x3658], $0x1;
	_ =	sdelay $0x2  }
0x328: {  	p2 =	seq.s32 @!p1 s9, $0x0;
	v0 =	vbroadcast @!p1 v0, $0x0  }
0x329: {  	vm0 =	vmmov @!p1 $0x1;
	p2 =	por !p2, p1  }
0x32a: {  	v1 =	vnsel @!p1 vm0, $0xFFFFFFFF, v1;
	vm0 =	vcmask @!p1 $0x308;
	v0 =	vpsel !p2, $0xFFFFFFFF, v0  }
0x32b: {  	p2 =	sne.s32 @!p1 s8, s7;
	v0 =	vsel @!p1 vm0, v1, v0  }
0x32c: {  	s0 =	simm.s32 @!p1 $0x3678;
	s1 =	simm.s32 @!p1 $0x0;
	p3 =	por !p2, p1;
	[tilespmem:$0x3878] =	vst @!p1 v0  }
0x32d: {  	[spmem:s1] =	stream.linear.scatter @!p1 [tilespmem:s0], [sflag:$0x1], $0x10, $0x38;
	[tilespmem:$0x1F0F8] =	vst v63  }
0x32e: {  	s0 =	sshll.u32 @!p3 s9, $0x6  }
0x32f: {  	s0 =	sshra.s32 @!p3 s0, $0x2  }
0x330: {  	s1 =	simm.s32 @!p3 $0x10;
	s0 =	sadd.s32 @!p3 $0x3678, s0  }
0x331: {  	[spmem:s1] =	stream.linear.scatter @!p3 [tilespmem:s0], [sflag:$0x1], $0x10, $0x38;
	[tilespmem:$0x1F0F8] =	vst v63  }
0x332: {  	s0 =	simm.s32 @!p3 $0x1  }
0x333: {  	_ =	swait.ge @!p3 [sflag:s0], $0x20  }
0x334: {  	p1 =	por p2, p1;
	[sflag:s0] =	ssyncset.done @!p3 $0x0  }
0x335: {  	[sflag:s0] =	ssyncadd.s32 @!p3 $0xFFFFFFE0;
	s0 =	simm.s32 @!p1 $0x1  }
0x336: {  	_ =	swait.ge @!p1 [sflag:s0], $0x10  }
0x337: {  	s29 =	simm.s32 $0x3878;
	[sflag:s0] =	ssyncset.done @!p1 $0x0  }
0x338: {  	s30 =	simm.s32 $0x200;
	s31 =	simm.s32 $0x1;
	[sflag:s0] =	ssyncadd.s32 @!p1 $0xFFFFFFF0  }
0x339: {  	[spmem:s30] =	stream.linear.scatter [tilespmem:s29], [sflag:$0x1], $0x10, $0x38;
	[tilespmem:$0x1F0F8] =	vst v63  }
0x33a: {  	_ =	swait.ge [sflag:s31], $0x10  }
0x33b: {  	[sflag:s31] =	ssyncset.done $0x0  }
0x33c: {  	p1 =	seq.s32 s17, $0x0;
	s8 =	rddreg [dreg:$0x2];
	[sflag:s31] =	ssyncadd.s32 $0xFFFFFFF0  }
0x33d: {  	s1 =	sshll.u32 @p1 s8, $0xE;
	s7 =	rddreg [dreg:$0x3]  }
0x33e: {  	s0 =	sadd.s32 @p1 $0x15C3C, s1;
	s1 =	sshll.u32 @p1 s7, $0x11  }
0x33f: {  	_ =	sfence.stream.spmem;
	s0 =	sor.u32 @p1 s1, s0  }
0x340: {  	[sflag:s0] =	ssyncadd.remote.s32 @p1 $0x1;
	s0 =	simm.s32 @p1 $0x4  }
0x341: {  	s2 =	simm.s32 @!p1 $0x3C;
	s1 =	sand.u32 $0xFFFFFFFE, s8;
	_ =	swait.ge @p1 [sflag:s0], $0x6  }
0x342: {  	s4 =	simm.s32 @!p1 $0x0;
	s1 =	sadd.s32 @!p1 $0x4, s1;
	[sflag:s0] =	ssyncset.done @p1 $0x0  }
0x343: {  	s5 =	simm.s32 @!p1 $0x20;
	[sflag:s0] =	ssyncadd.s32 @p1 $0xFFFFFFFA;
	s0 =	sshll.u32 @!p1 s1, $0x1A  }
0x344: {  	s1 =	sshll.u32 @!p1 s1, $0xD;
	s0 =	sor.u32 @!p1 s0, s7;
	_ =	swait.eq @!p1 [sflag:s2], $0x1  }
0x345: {  	s1 =	sor.u32 @!p1 $0x1C04, s1;
	s2 =	simm.s32 @!p1 $0x1C03;
	s0 =	sor.u32 @!p1 $0x80004000, s0  }
0x346: {  	[spmem:s5], [sflag:s1] =	dma.general @!p1 [spmem:s4], [sflag:s2], length:$0x4, [dreg:$0x0], stride_count:$0x0, ici_dest:s0, dma_misc:DstOpCode:WRITE  }
0x347: {  	p2 =	slt.s32 s9, $0x2;
	s4 =	simm.s32 @!p1 $0x40;
	s5 =	simm.s32 @!p1 $0x42  }
0x348: {  	[spmem:s5], [sflag:s1] =	dma.general @!p1 [spmem:s4], [sflag:s2], length:$0x2, [dreg:$0x0], stride_count:$0x0, ici_dest:s0, dma_misc:DstOpCode:WRITE  }
.Ltmp28:
0x349: {  	s0 =	simm.s32 @!p1 $0x3;
	(pc) =	sbr.rel @p2 .LBB2_37-.Ltmp28, $4  }
0x34a: {  	s1 =	sshll.u32 @!p1 s8, $0xE;
	_ =	swait.ge @!p1 [sflag:s0], $0x6  }
0x34b: {  	s2 =	sshll.u32 @!p1 s7, $0x11;
	s1 =	sadd.s32 @!p1 $0x11C3C, s1;
	[sflag:s0] =	ssyncset.done @!p1 $0x0  }
0x34c: {  	[sflag:s0] =	ssyncadd.s32 @!p1 $0xFFFFFFFA;
	s0 =	sor.u32 @!p1 s2, s1  }
0x34d: {  	[sflag:s0] =	ssyncadd.remote.s32 @!p1 $0xFFFFFFFF;
	s0 =	simm.s32 $0x0  }
0x34e: {  	s0 =	simm.s32 $0x3659  }
0x34f: {  	v0 =	vld.msk [tilespmem:s0+$0x0], $0x1;
	_ =	sdelay $0x4  }
0x350: {  	(v2sf) =	vpush v0, $0x0;
	_ =	sdelay $0xd  }
0x351: {  	s2 =	sadd.s32 $0xFFFFFFFE, s6  }
0x352: {  	s2 =	sadd.s32 $0xFFFFFFFF, s2;
	s0 =	spop (v2sf)  }
0x353: {  	p2 =	sne.s32 s2, $0x0;
	p1 =	sgt.u32 s0, $0xFFFFFE  }
.Ltmp29:
0x354: {  	s4 =	sand.u32 @!p1 $0xFFFFF8, s0;
	(pc) =	sbr.rel @!p2 .LBB2_36-.Ltmp29, $4  }
0x355: {  	s1 =	simm.s32 $0x3688;
	s0 =	sand.u32 @!p1 $0x7, s0;
	s4 =	sadd.s32 @!p1 s3, s4  }
0x356: {  	[hbm4b:s4+s0] =	stream.linear.scatter @!p1 [tilespmem:s1], [sflag:$0x5], $0x10, $0x38;
	[tilespmem:$0x1F0F8] =	vst v63  }
0x357: {  	s0 =	simm.s32 $0x0  }
0x358: {  	s6 =	simm.s32 $0x0;
	s7 =	simm.s32 $0x365A;
	s0 =	simm.s32 @!p1 $0x40  }
.LBB2_35:
0x359: {  	v0 =	vld.msk [tilespmem:s7+$0x0], $0x1;
	s2 =	sadd.s32 $0xFFFFFFFF, s2;
	s6 =	sadd.s32 s6, s0  }
0x35a: {  	p1 =	sne.s32 s2, $0x0;
	_ =	sdelay $0x3  }
0x35b: {  	(v2sf) =	vpush v0, $0x0;
	_ =	sdelay $0xe  }
.Ltmp30:
0x35c: {  	s4 =	spop (v2sf);
	(pc) =	sbr.rel @p1 .LBB2_35-.Ltmp30, $4  }
0x35d: {  	s0 =	simm.s32 $0x0;
	p2 =	sgt.u32 s4, $0xFFFFFE  }
0x35e: {  	s1 =	sadd.s32 $0x10, s1;
	s0 =	simm.s32 @!p2 $0x40;
	s5 =	sand.u32 @!p2 $0xFFFFF8, s4  }
0x35f: {  	s7 =	sadd.s32 $0x1, s7;
	s4 =	sand.u32 @!p2 $0x7, s4;
	s5 =	sadd.s32 @!p2 s3, s5  }
0x360: {  	[hbm4b:s5+s4] =	stream.linear.scatter @!p2 [tilespmem:s1], [sflag:$0x5], $0x10, $0x38;
	[tilespmem:$0x1F0F8] =	vst v63  }
.LBB2_36:
0x361: {  	s0 =	sadd.s32 s6, s0  }
0x362: {  	s0 =	sshrl.u32 s0, $0x2  }
.LBB2_37:
0x363: {  	s1 =	simm.s32 $0x5  }
0x364: {  	_ =	swait.ge [sflag:s1], s0  }
0x365: {  	s31 =	ssub.s32 $0x0, s0;
	[sflag:s1] =	ssyncset.done $0x0  }
0x366: {  	[sflag:s1] =	ssyncadd.s32 s31  }
0x367: {  	[sflag:s1] =	ssyncpa.u1 $0x1  }
.LBB2_38:
0x368: {  	s0 =	sor.u32 s17, s16  }
0x369: {  	p1 =	sne.s32 s0, $0x0  }
.Ltmp31:
0x36a: {  	_ = 	snop;
	(pc) =	sbr.rel @p1 .LBB2_53-.Ltmp31, $3  }
0x36b: {  	_ =	sdelay $0x1  }
0x36c: {  	[bflag:$0x0] =	sbarrier.arrive $0xFFFF  }
0x36d: {  	_ =	sfence  }
0x36e: {  	s0 =	simm.s32 $0x7  }
0x36f: {  	s1 =	simm.s32 $0x200;
	s2 =	simm.s32 $0x3658;
	[sflag:s0] =	ssyncpa.u1 $0x0  }
0x370: {  	[tilespmem:s2], [sflag:$0x7] =	stream.linear.gather [spmem:s1], $0x20, $0x38;
	[tilespmem:$0x1F0F8] =	vst v63  }
0x371: {  	s30 =	simm.s32 $0x3678;
	s1 =	simm.s32 $0x0  }
0x372: {  	[tilespmem:s30], [sflag:$0x7] =	stream.linear.gather [spmem:s1], $0x200, $0x38;
	[tilespmem:$0x1F0F8] =	vst v63  }
.Ltmp32:
0x373: {  	_ = 	snop;
	(pc) =	sbr.rel .LBB2_40-.Ltmp32, $4  }
0x374: {  	_ =	swait.ge [sflag:s0], $0x220  }
0x375: {  	[sflag:s0] =	ssyncset.done $0x0  }
0x376: {  	s31 =	simm.s32 $0x8;
	[sflag:s0] =	ssyncadd.s32 $0xFFFFFDE0  }
0x377: {  	s2 =	simm.s32 $0x0;
	[sflag:s31] =	ssyncpa.u1 $0x0  }
.LBB2_45:
0x378: {  	p1 =	slt.u32 s4, $0xFFFFFF  }
0x379: {  	s0 =	sand.u32 @p1 $0xFFFFF8, s4  }
0x37a: {  	s4 =	sand.u32 @p1 $0x7, s4;
	s5 =	simm.s32 @p1 $0x3638;
	s0 =	sadd.s32 @p1 s3, s0  }
0x37b: {  	[tilespmem:s5], [sflag:$0x8] =	stream.linear.gather @p1 [hbm4b:s0+s4], $0x10, $0x38;
	[tilespmem:$0x1F0F8] =	vst v63  }
0x37c: {  	s0 =	simm.s32 @p1 $0x8  }
0x37d: {  	_ =	swait.ge @p1 [sflag:s0], $0x10  }
0x37e: {  	[sflag:s0] =	ssyncset.done @p1 $0x0  }
0x37f: {  	[sflag:s0] =	ssyncadd.s32 @p1 $0xFFFFFFF0  }
0x380: {  	v1 =	vld @p1 [tilespmem:$0x3638];
	_ =	sdelay $0x2  }
0x381: {  	s0 =	sshll.u32 @p1 s2, $0x6  }
0x382: {  	s5 =	sshll.u32 @!p1 s2, $0x6;
	s4 =	sshrl.u32 @p1 s0, $0x2  }
0x383: {  	s5 =	smov.u32 @p1 s0;
	[tilespmem:s4+$0x3678] =	vst.add.f32.msk @p1 $0xffff, v1  }
0x384: {  	s0 =	sshrl.u32 s5, $0x2;
	[tilespmem:s1+$0x3658] =	vst.msk $0x1, v0  }
0x385: {  	v0 =	vld [tilespmem:s0+$0x3678];
	_ =	sdelay $0x2  }
0x386: {  	s31 =	sshll.u32 s1, $0x6  }
0x387: {  	s0 =	sshra.s32 s31, $0x2  }
0x388: {  	s1 =	sadd.s32 $0x1, s1;
	[tilespmem:s0+$0x3678] =	vst v0  }
.LBB2_47:
0x389: {  	s2 =	sadd.s32 $0x1, s2  }
0x38a: {  	p1 =	sne.s32 s2, $0x20  }
.Ltmp33:
0x38b: {  	_ = 	snop;
	(pc) =	sbr.rel @!p1 .LBB2_48-.Ltmp33, $1  }
0x38c: {  	_ =	sdelay $0x3  }
.LBB2_40:
0x38d: {  	v0 =	vld.msk [tilespmem:s2+$0x3658], $0x1;
	_ =	sdelay $0x4  }
0x38e: {  	(v2sf) =	vpush v0, $0x0;
	_ =	sdelay $0xe  }
0x38f: {  	s4 =	spop (v2sf)  }
0x390: {  	p1 =	seq.s32 s4, $0xFFFFFFFF  }
.Ltmp34:
0x391: {  	_ = 	snop;
	(pc) =	sbr.rel @p1 .LBB2_47-.Ltmp34, $1  }
0x392: {  	_ =	sdelay $0x3  }
0x393: {  	p1 =	slt.s32 s1, $0x1  }
.Ltmp35:
0x394: {  	_ = 	snop;
	(pc) =	sbr.rel @p1 .LBB2_45-.Ltmp35, $1  }
0x395: {  	_ =	sdelay $0x3  }
0x396: {  	s5 =	simm.s32 $0x3658;
	p1 =	por $0x0, $0x0  }
0x397: {  	v1 =	vld.msk @!p1 [tilespmem:s5+$0x0], $0x1;
	_ =	sdelay $0x4  }
0x398: {  	(v2sf) =	vpush @!p1 v1, $0x0;
	_ =	sdelay $0xd  }
0x399: {  	p3 =	sne.s32 s1, $0x1  }
.Ltmp36:
0x39a: {  	s0 =	spop @!p1 (v2sf);
	(pc) =	sbr.rel @!p3 .LBB2_44-.Ltmp36, $4  }
0x39b: {  	p2 =	seq.s32 @!p1 s4, s0  }
0x39c: {  	s6 =	simm.s32 $0x0;
	p2 =	por !p2, p1  }
0x39d: {  	s0 =	simm.s32 $0xFFFFFFFF;
	s6 =	simm.s32 @p2 $0xFFFFFFFF  }
0x39e: {  	s7 =	simm.s32 $0x1;
	s6 =	smov.u32 @p1 s0  }
.LBB2_43:
0x39f: {  	s0 =	smov.u32 s6;
	p1 =	sne.s32 s6, $0xFFFFFFFF  }
0x3a0: {  	s5 =	sadd.s32 $0x1, s5;
	s6 =	smov.u32 s7;
	s7 =	sadd.s32 $0x1, s7  }
0x3a1: {  	p2 =	sne.s32 s1, s7;
	v1 =	vld.msk @!p1 [tilespmem:s5+$0x0], $0x1;
	_ =	sdelay $0x4  }
0x3a2: {  	(v2sf) =	vpush @!p1 v1, $0x0;
	_ =	sdelay $0xe  }
.Ltmp37:
0x3a3: {  	s8 =	spop @!p1 (v2sf);
	(pc) =	sbr.rel @p2 .LBB2_43-.Ltmp37, $4  }
0x3a4: {  	p3 =	seq.s32 @!p1 s4, s8  }
0x3a5: {  	p3 =	por !p3, p1  }
0x3a6: {  	s6 =	simm.s32 @p3 $0xFFFFFFFF  }
0x3a7: {  	s6 =	smov.u32 @p1 s0  }
.LBB2_44:
0x3a8: {  	p1 =	sne.s32 s6, $0xFFFFFFFF  }
.Ltmp38:
0x3a9: {  	_ = 	snop;
	(pc) =	sbr.rel @!p1 .LBB2_45-.Ltmp38, $1  }
0x3aa: {  	_ =	sdelay $0x3  }
0x3ab: {  	s0 =	sshll.u32 s2, $0x4  }
0x3ac: {  	s0 =	sand.u32 $0x3FFFFFF0, s0  }
0x3ad: {  	v0 =	vld [tilespmem:s0+$0x3678]  }
.Ltmp39:
0x3ae: {  	_ = 	snop;
	(pc) =	sbr.rel .LBB2_47-.Ltmp39, $4  }
0x3af: {  	_ = 	snop  }
0x3b0: {  	s31 =	sshll.u32 s6, $0x6  }
0x3b1: {  	s0 =	sshra.s32 s31, $0x2  }
0x3b2: {  	[tilespmem:s0+$0x3678] =	vst.add.f32.msk $0xffff, v0  }
.LBB2_48:
0x3b3: {  	p1 =	slt.s32 s1, $0x1  }
.Ltmp40:
0x3b4: {  	_ = 	snop;
	(pc) =	sbr.rel @p1 .LBB2_52-.Ltmp40, $3  }
0x3b5: {  	_ =	sdelay $0x1  }
0x3b6: {  	s0 =	simm.s32 $0x8  }
0x3b7: {  	s2 =	simm.s32 $0x0;
	[sflag:s0] =	ssyncpa.u1 $0x1  }
0x3b8: {  	s0 =	simm.s32 $0x3658  }
0x3b9: {  	v0 =	vld.msk [tilespmem:s0+$0x0], $0x1;
	_ =	sdelay $0x4  }
0x3ba: {  	(v2sf) =	vpush v0, $0x0;
	_ =	sdelay $0xe  }
0x3bb: {  	s1 =	sadd.s32 $0xFFFFFFFF, s1;
	s0 =	spop (v2sf)  }
0x3bc: {  	p2 =	sne.s32 s1, $0x0;
	p1 =	sgt.u32 s0, $0xFFFFFE  }
.Ltmp41:
0x3bd: {  	s5 =	sand.u32 @!p1 $0xFFFFF8, s0;
	(pc) =	sbr.rel @!p2 .LBB2_51-.Ltmp41, $4  }
0x3be: {  	s4 =	simm.s32 $0x3678;
	s0 =	sand.u32 @!p1 $0x7, s0;
	s5 =	sadd.s32 @!p1 s3, s5  }
0x3bf: {  	[hbm4b:s5+s0] =	stream.linear.scatter @!p1 [tilespmem:s4], [sflag:$0x7], $0x10, $0x38;
	[tilespmem:$0x1F0F8] =	vst v63  }
0x3c0: {  	s0 =	simm.s32 $0x0  }
0x3c1: {  	s5 =	simm.s32 $0x3659;
	s0 =	simm.s32 @!p1 $0x40  }
.LBB2_50:
0x3c2: {  	v0 =	vld.msk [tilespmem:s5+$0x0], $0x1;
	s1 =	sadd.s32 $0xFFFFFFFF, s1;
	s2 =	sadd.s32 s2, s0  }
0x3c3: {  	p1 =	sne.s32 s1, $0x0;
	_ =	sdelay $0x3  }
0x3c4: {  	(v2sf) =	vpush v0, $0x0;
	_ =	sdelay $0xe  }
.Ltmp42:
0x3c5: {  	s6 =	spop (v2sf);
	(pc) =	sbr.rel @p1 .LBB2_50-.Ltmp42, $4  }
0x3c6: {  	s0 =	simm.s32 $0x0;
	p2 =	sgt.u32 s6, $0xFFFFFE  }
0x3c7: {  	s4 =	sadd.s32 $0x10, s4;
	s0 =	simm.s32 @!p2 $0x40;
	s7 =	sand.u32 @!p2 $0xFFFFF8, s6  }
0x3c8: {  	s5 =	sadd.s32 $0x1, s5;
	s6 =	sand.u32 @!p2 $0x7, s6;
	s7 =	sadd.s32 @!p2 s3, s7  }
0x3c9: {  	[hbm4b:s7+s6] =	stream.linear.scatter @!p2 [tilespmem:s4], [sflag:$0x7], $0x10, $0x38;
	[tilespmem:$0x1F0F8] =	vst v63  }
.LBB2_51:
0x3ca: {  	s0 =	sadd.s32 s2, s0  }
0x3cb: {  	s2 =	sshrl.u32 s0, $0x2  }
.LBB2_52:
0x3cc: {  	s0 =	simm.s32 $0x7  }
0x3cd: {  	_ =	swait.ge [sflag:s0], s2  }
0x3ce: {  	s1 =	ssub.s32 $0x0, s2;
	[sflag:s0] =	ssyncset.done $0x0  }
0x3cf: {  	[sflag:s0] =	ssyncadd.s32 s1  }
0x3d0: {  	[sflag:s0] =	ssyncpa.u1 $0x1  }
.LBB2_53:
0x3d1: {  	_ =	sfence;
	s0 =	simm.s32 $0x1  }
0x3d2: {  	[sflag:s0] =	ssyncpa.u1 $0x1  }
0x3d3: {  	_ =	strace $0x90000047  }
0x3d4: {  	[bflag:$0x2] =	sbarrier.arrive $0xFFFF  }
0x3d5: {  	s0 =	rddreg [dreg:$0x4]  }
0x3d6: {  	s0 =	sadd.s32 @!p0 $0x100000, s0  }
0x3d7: {  	[sflag:s0] =	ssyncadd.tile.s32 @!p0 $0x1;
	_ =	shalt  }
.Lfunc_end2:
_tile_overlayer_lowered:
.L_overlay_start_2:
0x3d8: {  	(tag) =	ssettag $0x2  }
0x3d9: {  	s0 =	rddreg [dreg:$0x0];
	s2 =	stileid.u32  }
0x3da: {  	s1 =	rddreg [dreg:$0x1];
	p0 =	sne.s32 s2, $0x0  }
0x3db: {  	s3 =	rddreg [dreg:$0x2];
	[bflag:$0x3] =	sbarrier.arrive $0xFFFF;
	s2 =	simm.s32 @!p0 $0x1C01  }
0x3dc: {  	[timem:s3], [sflag:s2] =	dma.local @!p0 [hbm:s0], s1  }
0x3dd: {  	s0 =	simm.s32 @!p0 $0x1  }
0x3de: {  	_ =	swait.ge @!p0 [sflag:s0], s1  }
0x3df: {  	s1 =	ssub.s32 @!p0 $0x0, s1;
	[sflag:s0] =	ssyncset.done @!p0 $0x0  }
0x3e0: {  	[sflag:s0] =	ssyncadd.s32 @!p0 s1  }
0x3e1: {  	[bflag:$0x3] =	sbarrier.arrive $0xFFFF  }
0x3e2: {  	_ =	shalt  }

// kernel: sparse-core-data-format-call.1.cloned.1.call-start
scs
called_computation.3_lowered:
.L_overlay_start_0:
0x0: {  	s2 =	sld [smem:$0x3FD9]  }
0x1: {  	s3 =	sld [smem:$0x3FFE];
	_ =	sdelay $0x1  }
0x2: {  	s1 =	srdreg.scid  }
0x3: {  	s0 =	sand.u32 $0x1, s1  }
0x4: {  	s18 =	sshll.u32 s0, $0xA;
	s2 =	sadd.s32 s3, s2  }
0x5: {  	s2 =	sadd.s32 s2, s18  }
0x6: {  	[smem:$0x3FC5] =	sst s2  }
0x7: {  	_ = 	snop  }
0x8: {  	s2 =	sld [smem:$0x3FD0];
	(tm) =	ssettm $0x1  }
0x9: {  	s19 =	sld [smem:$0x3FFB];
	_ =	sdelay $0x3  }
0xa: {  	_ =	strace s19  }
0xb: {  	s3 =	sld [smem:$0x3FFC];
	_ =	sdelay $0x3  }
0xc: {  	_ =	strace s3  }
0xd: {  	s3 =	sld [smem:$0x3FFD];
	_ =	sdelay $0x3  }
0xe: {  	_ =	strace s3  }
0xf: {  	_ =	strace $0x8FFFFFFF  }
0x10: {  	s20 =	sld [smem:$0x3FDB];
	_ =	sdelay $0x1  }
0x11: {  	s4 =	simm.s32 $_scs_section_size  }
0x12: {  	s5 =	simm.s32 $_size__tile_overlayer_lowered;
	s6 =	simm.s32 $_tile_overlayer_lowered  }
0x13: {  	s23 =	simm.s32 $0x1BFF;
	s22 =	sshll.u32 s6, $0x1;
	s3 =	sadd.s32 s4, s20  }
0x14: {  	s7 =	simm.s32 $0x0;
	s21 =	sshll.u32 s5, $0x1;
	s5 =	sadd.s32 s22, s3  }
0x15: {  	[timem:s7], [sflag:s23] =	dma.local [hbm:s5], s21  }
0x16: {  	_ =	swait.ge [sflag:s23], s21  }
0x17: {  	s4 =	ssub.s32 $0x0, s21;
	[sflag:s23] =	ssyncset.done $0x0  }
0x18: {  	[sflag:s23] =	ssyncadd.s32 s4;
	_ =	sdelay $0x1  }
0x19: {  	s24 =	simm.s32 $0x1B8B  }
0x1a: {  	_ =	swait.ge [sflag:s24], $0x1  }
0x1b: {  	[sflag:s24] =	ssyncset.done $0x0  }
0x1c: {  	s26 =	simm.s32 $0x1B8E;
	s25 =	sld [smem:$0x3FFE];
	[sflag:s24] =	ssyncadd.s32 $0xFFFFFFFF  }
0x1d: {  	s27 =	simm.s32 $execute0_lowered;
	[smem:$0x3FD2] =	sst s26  }
0x1e: {  	s5 =	sshll.u32 s27, $0x1;
	_ =	strace $0x8000004F;
	[dreg:$0x1] =	wrdreg $0xFFFFFFFF  }
0x1f: {  	s28 =	simm.s32 $_size_execute0_lowered;
	s3 =	sadd.s32 s3, s5;
	[dreg:$0x0] =	wrdreg $0x0  }
0x20: {  	s5 =	sshll.u32 s28, $0x1;
	[dreg:$0x2] =	wrdreg s3  }
0x21: {  	[dreg:$0x3] =	wrdreg s5  }
0x22: {  	[dreg:$0x4] =	wrdreg $0xC0  }
0x23: {  	_ =	task [dreg:s7], $0x5FFFF  }
0x24: {  	[dreg:$0x1] =	wrdreg $0xFFFFFFFF  }
0x25: {  	[dreg:$0x0] =	wrdreg $0x60  }
0x26: {  	[dreg:$0x2] =	wrdreg s2  }
0x27: {  	[dreg:$0x3] =	wrdreg s25  }
0x28: {  	[dreg:$0x4] =	wrdreg $0x9  }
0x29: {  	_ =	task.clear_ibuf [dreg:s7], $0x5FFFF;
	_ =	strace $0x9000004F  }
0x2a: {  	s29 =	simm.s32 $0x9;
	_ =	strace $0x80000051  }
0x2b: {  	_ =	swait.ge [sflag:s29], $0x1  }
0x2c: {  	[sflag:s29] =	ssyncadd.s32 $0xFFFFFFFF  }
0x2d: {  	_ =	strace $0x90000051  }
0x2e: {  	_ =	sfence  }
0x2f: {  	s30 =	sld [smem:$0x0];
	_ =	sdelay $0x2  }
0x30: {  	s31 =	sshll.u32 s1, $0xD;
	s1 =	sshrl.u32 s1, $0x2  }
0x31: {  	s3 =	sand.u32 $0x4000, s31;
	s1 =	sadd.s32 s1, s30  }
0x32: {  	s0 =	sor.u32 s3, s0;
	s1 =	sshll.u32 s1, $0x11  }
0x33: {  	s0 =	sor.u32 s1, s0  }
0x34: {  	s0 =	sadd.s32 $0x8F2B, s0  }
0x35: {  	[sflag:s0] =	ssyncadd.remote.s32 $0x1  }
0x36: {  	_ =	sfence.sel $0xFFFF  }
0x37: {  	[dreg:$0x0] =	wrdreg $0xFFFFFFFF;
	(pc) =	sbr.abs _section_cstart, $3  }
0x38: {  	[dreg:$0x1] =	wrdreg $0xFFFFFFFF  }
0x39: {  	_ =	task.clear_ibuf [dreg:s7], $0x2FFFF;
	_ =	strace $0x9FFFFFFF  }
0x3a: {  	(tm) =	ssettm $0x7FFFFFFF  }
0x3b: {  	_ =	shalt  }
tec
execute0_lowered:
.L_overlay_start_1:
0x0: {  	(tag) =	ssettag $0x1  }
0x1: {  	s2 =	stileid.u32;
	s3 =	rddreg [dreg:$0x0]  }
0x2: {  	s0 =	srdreg.scid;
	s5 =	rddreg [dreg:$0x1];
	_ =	strace $0x80000050  }
0x3: {  	s31 =	simm.s32 $0x2;
	s16 =	simm.s32 $0x0;
	s9 =	simm.s32 $0x100000  }
0x4: {  	s10 =	simm.s32 $0x0;
	s1 =	sshll.u32 s2, $0x2;
	s0 =	sshll.u32 s0, $0x6  }
0x5: {  	s17 =	simm.s32 $0x0;
	s0 =	sor.u32 s1, s0;
	s1 =	sand.u32 $0x1, s2  }
0x6: {  	s19 =	simm.s32 $0x0;
	s2 =	sand.u32 $0x78, s0;
	s30 =	ssub.s32 $0x2, s1  }
0x7: {  	s18 =	simm.s32 $0x0;
	s4 =	ssub.s32 $0x800, s2;
	s7 =	sshll.u32 s30, $0x1  }
0x8: {  	s11 =	simm.s32 $0x0;
	s6 =	sand.u32 $0x78, s4;
	s7 =	sand.u32 $0x2, s7  }
0x9: {  	s4 =	sshrl.u32 s4, $0x7;
	p0 =	sne.s32 s6, $0x0;
	s6 =	simm.s32 $0x1  }
.Ltmp0:
0xa: {  	s0 =	sadd.s32 s7, s30;
	s6 =	simm.s32 @!p0 $0x0;
	(pc) =	sbr.rel .LBB1_1-.Ltmp0, $4  }
0xb: {  	s12 =	simm.s32 $0x0;
	s0 =	sand.u32 $0x6, s0;
	s4 =	sadd.s32 s6, s4  }
0xc: {  	s15 =	simm.s32 $0x0;
	s6 =	simm.s32 $0x1;
	s7 =	smul.u32 s4, s0  }
0xd: {  	s25 =	simm.s32 $0x0;
	s14 =	smov.u32 s1;
	[sflag:s6] =	ssyncpa.u1 $0x0  }
0xe: {  	s13 =	smov.u32 s2;
	[sflag:s31] =	ssyncpa.u1 $0x0;
	s8 =	sor.u32 $0x1, s7  }
.LBB1_7:
0xf: {  	s0 =	sadd.s32 $0x100, s11  }
0x10: {  	s4 =	sadd.s32 $0x8, s12;
	s20 =	smov.u32 s12;
	p1 =	sgt.s32 s0, $0x1FF  }
0x11: {  	s20 =	smov.u32 @p1 s4  }
0x12: {  	s21 =	smov.u32 s13;
	s4 =	sadd.s32 $0x80, s13;
	p2 =	sgt.s32 s20, $0x7  }
0x13: {  	s21 =	smov.u32 @p2 s4  }
0x14: {  	s22 =	smov.u32 s14;
	s4 =	sadd.s32 $0x2, s14;
	p3 =	sgt.s32 s21, $0x7FF  }
0x15: {  	p0 =	slt.u32 s15, $0x2;
	s22 =	smov.u32 @p3 s4  }
0x16: {  	s16 =	smov.u32 s11;
	s0 =	simm.s32 @p1 $0x0;
	p1 =	sgt.s32 s22, $0x1  }
0x17: {  	s17 =	smov.u32 s12;
	s22 =	smov.u32 @p1 s1;
	p1 =	sne.s32 s15, s8  }
.Ltmp1:
0x18: {  	s19 =	smov.u32 s13;
	s18 =	smov.u32 s14;
	(pc) =	sbr.rel @!p1 .LBB1_8-.Ltmp1, $4  }
0x19: {  	s10 =	sadd.s32 $0x4000, s10;
	s11 =	smov.u32 s0;
	s4 =	simm.s32 @!p0 $0x2  }
0x1a: {  	s20 =	simm.s32 @p2 $0x0;
	s21 =	smov.u32 @p3 s2;
	_ =	swait.ge @!p0 [sflag:s4], $0x4000  }
0x1b: {  	s12 =	smov.u32 s20;
	s13 =	smov.u32 s21;
	[sflag:s4] =	ssyncset.done @!p0 $0x0  }
0x1c: {  	s15 =	sadd.s32 $0x1, s15;
	[sflag:s4] =	ssyncadd.s32 @!p0 $0xFFFFC000;
	s14 =	smov.u32 s22  }
.LBB1_1:
0x1d: {  	p0 =	sge.u32 s15, s7  }
0x1e: {  	s31 =	sadd.s32 $0xFFFFFFFF, s15;
	s0 =	sxor.u32 @!p0 $0xFFFFFFFF, s15;
	s4 =	sshll.u32 @!p0 s11, $0x3  }
0x1f: {  	s20 =	sshll.u32 @!p0 s12, $0x7;
	s21 =	sand.u32 @!p0 $0x78, s11;
	s22 =	sshll.u32 @!p0 s14, $0x14  }
0x20: {  	s23 =	sshll.u32 @!p0 s13, $0x9;
	s0 =	sshll.u32 @!p0 s0, $0xE;
	s20 =	sand.u32 @!p0 $0x380, s20  }
0x21: {  	s4 =	sand.u32 @!p0 $0xC00, s4;
	s0 =	sand.u32 @!p0 $0x4000, s0;
	s20 =	sor.u32 @!p0 s21, s20  }
0x22: {  	s21 =	sand.u32 @!p0 $0x7, s11;
	s4 =	sor.u32 @!p0 s4, s20;
	s20 =	sadd.s32 @!p0 s3, s22  }
0x23: {  	s21 =	sshll.u32 @!p0 s21, $0x12;
	s4 =	sshrl.u32 @!p0 s4, $0x3;
	s20 =	sadd.s32 @!p0 s23, s20  }
0x24: {  	s4 =	sadd.s32 @!p0 s4, s20;
	s20 =	sor.u32 @!p0 $0x800, s21;
	s21 =	simm.s32 @!p0 $0x1000  }
0x25: {  	[tilespmem:s0], [sflag:$0x1] =	stream.strided.gather @!p0 [hbm4b:s4+s20], $0x4000, s21, s20, $0x38;
	[tilespmem:$0x10000] =	vst v63  }
0x26: {  	p0 =	sge.u32 s31, s7  }
.Ltmp2:
0x27: {  	_ = 	snop;
	(pc) =	sbr.rel @p0 .LBB1_7-.Ltmp2, $1  }
0x28: {  	_ =	sdelay $0x3  }
0x29: {  	s0 =	sshll.u32 s10, $0x2;
	_ =	swait.ge [sflag:s6], $0x4000;
	s4 =	sshll.u32 s15, $0xE  }
0x2a: {  	p0 =	por $0x0, $0x0;
	s26 =	simm.s32 $0x0;
	s27 =	simm.s32 $0x0  }
0x2b: {  	s0 =	sand.u32 $0x10000, s0;
	[sflag:s6] =	ssyncset.done $0x0;
	s23 =	sand.u32 $0x4000, s4  }
0x2c: {  	s0 =	sshrl.u32 s0, $0x2;
	[sflag:s6] =	ssyncadd.s32 $0xFFFFC000;
	s20 =	sor.u32 $0x8000, s23  }
0x2d: {  	s21 =	sor.u32 $0x40, s0;
	s22 =	sor.u32 $0x8410, s0;
	s24 =	sadd.s32 $0x8400, s0  }
.LBB1_3:
0x2e: {  	v1 =	vld [tilespmem:s21+$0xFFFFFFD0]  }
0x2f: {  	v2 =	vld [tilespmem:s21+$0x430]  }
0x30: {  	s0 =	sshll.u32 s27, $0xB;
	v4 =	vld [tilespmem:s21+$0xFFFFFFE0]  }
0x31: {  	v7 =	vld [tilespmem:s21+$0xFFFFFFF0];
	v0 =	vmov s0  }
0x32: {  	v8 =	vld [tilespmem:s21+$0x0]  }
0x33: {  	v9 =	vld [tilespmem:s21+$0x10];
	s0 =	sand.u32 $0x300, s25  }
0x34: {  	s4 =	sand.u32 $0x80, s25;
	v10 =	vld [tilespmem:s21+$0x20];
	s0 =	sadd.s32 s0, s23  }
0x35: {  	v11 =	vld [tilespmem:s21+$0x30];
	s0 =	sadd.s32 s4, s0;
	s4 =	simm.s32 $0x1;
	[tilespmem:s22+$0x60] =	vst v2  }
0x36: {  	s4 =	simm.s32 @!p0 $0x0;
	[tilespmem:s22+$0xFFFFFC00] =	vst v1;
	v3 =	vld.idx.msk [tilespmem:v0+s0+$0x400 ss:$0x1], $0xffff;
	s0 =	sshll.u32 s26, $0x2  }
0x37: {  	v6 =	vld [tilespmem:s21+$0x3D0];
	s4 =	sshll.u32 s4, $0x9;
	[tilespmem:s22+$0xFFFFFC10] =	vst v4;
	s0 =	sand.u32 $0xFFFFFC00, s0  }
0x38: {  	v5 =	vld [tilespmem:s21+$0x3E0];
	[tilespmem:s22+$0xFFFFFC20] =	vst v7;
	s0 =	sor.u32 s4, s0  }
0x39: {  	[tilespmem:s22+$0xFFFFFC30] =	vst v8;
	v4 =	vld [tilespmem:s21+$0x400];
	s0 =	sshrl.u32 s0, $0x2  }
0x3a: {  	[tilespmem:s22+$0xFFFFFC40] =	vst v9;
	v1 =	vld [tilespmem:s21+$0x410];
	s28 =	sadd.s32 s0, s24  }
0x3b: {  	[tilespmem:s28+$0x0] =	vst v3;
	v3 =	vld [tilespmem:s21+$0x3F0]  }
0x3c: {  	s31 =	simm.s32 $0x100;
	[tilespmem:s22+$0xFFFFFC50] =	vst v10;
	v2 =	vld [tilespmem:s21+$0x420];
	s4 =	simm.s32 $0x80  }
0x3d: {  	s29 =	sadd.s32 $0x80, s21;
	s30 =	smov.u32 s22;
	v7 =	vld [tilespmem:s21+$0xFFFFFFC0];
	[tilespmem:s22+$0xFFFFFC60] =	vst v11;
	s0 =	sand.u32 $0x300, s4  }
.LBB1_4:
0x3e: {  	p1 =	sne.s32 s31, $0x380;
	v8 =	vld [tilespmem:s29+$0xFFFFFFD0];
	s4 =	sand.u32 $0x80, s4;
	s0 =	sadd.s32 s0, s23;
	[tilespmem:s30+$0x0] =	vst v6  }
0x3f: {  	s0 =	sadd.s32 s4, s0;
	v6 =	vld [tilespmem:s29+$0x430];
	[tilespmem:s30+$0x10] =	vst v5;
	s4 =	smov.u32 s31  }
0x40: {  	v5 =	vld.idx.msk [tilespmem:v0+s0+$0x400 ss:$0x1], $0xffff;
	[tilespmem:s30+$0x20] =	vst v3  }
0x41: {  	v3 =	vld [tilespmem:s29+$0xFFFFFFE0];
	[tilespmem:s30+$0x30] =	vst v4  }
0x42: {  	v4 =	vld [tilespmem:s29+$0xFFFFFFF0];
	[tilespmem:s30+$0xFFFFFBF0] =	vst v7  }
0x43: {  	v7 =	vld [tilespmem:s29+$0x0];
	[tilespmem:s30+$0x40] =	vst v1  }
0x44: {  	v1 =	vld [tilespmem:s29+$0x10];
	[tilespmem:s30+$0x50] =	vst v2;
	s30 =	sadd.s32 $0x800, s30  }
0x45: {  	s28 =	sadd.s32 $0x800, s28;
	v2 =	vld [tilespmem:s29+$0x20];
	[tilespmem:s30+$0x60] =	vst v6  }
0x46: {  	v9 =	vld [tilespmem:s29+$0x30];
	[tilespmem:s28+$0x0] =	vst v5  }
0x47: {  	[tilespmem:s30+$0xFFFFFC00] =	vst v8;
	v6 =	vld [tilespmem:s29+$0x3D0]  }
0x48: {  	[tilespmem:s30+$0xFFFFFC10] =	vst v3;
	v5 =	vld [tilespmem:s29+$0x3E0]  }
.Ltmp3:
0x49: {  	[tilespmem:s30+$0xFFFFFC20] =	vst v4;
	v3 =	vld [tilespmem:s29+$0x3F0];
	(pc) =	sbr.rel @p1 .LBB1_4-.Ltmp3, $4  }
0x4a: {  	[tilespmem:s30+$0xFFFFFC30] =	vst v7;
	v4 =	vld [tilespmem:s29+$0x400]  }
0x4b: {  	[tilespmem:s30+$0xFFFFFC40] =	vst v1;
	v1 =	vld [tilespmem:s29+$0x410]  }
0x4c: {  	[tilespmem:s30+$0xFFFFFC50] =	vst v2;
	v2 =	vld [tilespmem:s29+$0x420]  }
0x4d: {  	s31 =	sadd.s32 $0x80, s31;
	s0 =	sand.u32 $0x300, s4;
	v7 =	vld [tilespmem:s29+$0xFFFFFFC0];
	[tilespmem:s30+$0xFFFFFC60] =	vst v9;
	s29 =	sadd.s32 $0x80, s29  }
0x4e: {  	[tilespmem:s30+$0x0] =	vst v6  }
0x4f: {  	[tilespmem:s30+$0x10] =	vst v5  }
0x50: {  	v49 =	vld [tilespmem:s29+$0x430];
	[tilespmem:s30+$0x20] =	vst v3  }
0x51: {  	v50 =	vld [tilespmem:s29+$0xFFFFFFD0];
	[tilespmem:s30+$0x30] =	vst v4  }
0x52: {  	v51 =	vld [tilespmem:s29+$0xFFFFFFE0];
	[tilespmem:s30+$0x40] =	vst v1  }
0x53: {  	v52 =	vld [tilespmem:s29+$0xFFFFFFF0];
	[tilespmem:s30+$0x50] =	vst v2  }
0x54: {  	v53 =	vld [tilespmem:s29+$0x0];
	[tilespmem:s30+$0xFFFFFBF0] =	vst v7;
	s30 =	sadd.s32 $0x800, s30  }
0x55: {  	v54 =	vld [tilespmem:s29+$0x10];
	[tilespmem:s30+$0x60] =	vst v49  }
0x56: {  	v55 =	vld [tilespmem:s29+$0x20];
	[tilespmem:s30+$0xFFFFFC00] =	vst v50  }
0x57: {  	v56 =	vld [tilespmem:s29+$0x30];
	[tilespmem:s30+$0xFFFFFC10] =	vst v51  }
0x58: {  	v57 =	vld [tilespmem:s29+$0x3D0];
	[tilespmem:s30+$0xFFFFFC20] =	vst v52  }
0x59: {  	v58 =	vld [tilespmem:s29+$0x3E0];
	[tilespmem:s30+$0xFFFFFC30] =	vst v53  }
0x5a: {  	v59 =	vld [tilespmem:s29+$0x3F0];
	[tilespmem:s30+$0xFFFFFC40] =	vst v54  }
0x5b: {  	v60 =	vld [tilespmem:s29+$0x400];
	[tilespmem:s30+$0xFFFFFC50] =	vst v55  }
0x5c: {  	v61 =	vld [tilespmem:s29+$0xFFFFFFC0];
	[tilespmem:s30+$0xFFFFFC60] =	vst v56  }
0x5d: {  	s4 =	sand.u32 $0x80, s4;
	s0 =	sadd.s32 s0, s23;
	v62 =	vld [tilespmem:s29+$0x410];
	[tilespmem:s30+$0x0] =	vst v57  }
0x5e: {  	v63 =	vld [tilespmem:s29+$0x420];
	s27 =	sadd.s32 $0x1, s27;
	s0 =	sadd.s32 s4, s0;
	[tilespmem:s30+$0x10] =	vst v58  }
0x5f: {  	p1 =	sne.s32 s27, $0x8;
	v0 =	vld.idx.msk [tilespmem:v0+s0+$0x400 ss:$0x1], $0xffff;
	[tilespmem:s30+$0x20] =	vst v59  }
.Ltmp4:
0x60: {  	[tilespmem:s30+$0x30] =	vst v60;
	(pc) =	sbr.rel @p1 .LBB1_3-.Ltmp4, $4  }
0x61: {  	[tilespmem:s30+$0xFFFFFBF0] =	vst v61  }
0x62: {  	[tilespmem:s30+$0x40] =	vst v62  }
0x63: {  	s31 =	sadd.s32 $0x800, s28;
	s21 =	sadd.s32 $0x800, s21;
	[tilespmem:s30+$0x50] =	vst v63  }
0x64: {  	s26 =	sadd.s32 $0x80, s26;
	p0 =	por !p0, !p0;
	s22 =	sadd.s32 $0x80, s22;
	[tilespmem:s31+$0x0] =	vst v0  }
0x65: {  	s0 =	sand.u32 $0x78, s16  }
0x66: {  	s4 =	sshll.u32 s19, $0x9;
	s21 =	sshll.u32 s16, $0x3;
	s28 =	sshll.u32 s19, $0x7  }
0x67: {  	s18 =	sshll.u32 s18, $0x14;
	s17 =	sshll.u32 s17, $0x11;
	s30 =	sand.u32 $0x7, s16  }
0x68: {  	s4 =	sand.u32 $0xFF000, s4;
	s21 =	sand.u32 $0xFFC00, s21;
	s29 =	sand.u32 $0x200, s28  }
0x69: {  	s19 =	sand.u32 $0x180, s28;
	s18 =	sadd.s32 s5, s18;
	s4 =	sadd.s32 s4, s21  }
.Ltmp5:
0x6a: {  	s0 =	sor.u32 s19, s0;
	s4 =	sor.u32 s29, s4;
	(pc) =	sbr.rel .LBB1_7-.Ltmp5, $4  }
0x6b: {  	s17 =	sadd.s32 s17, s18;
	s0 =	sshrl.u32 s0, $0x3;
	s4 =	sshrl.u32 s4, $0x3  }
0x6c: {  	s16 =	sshll.u32 s30, $0x12;
	s0 =	sadd.s32 s0, s17;
	s4 =	sand.u32 $0x1FFC0, s4  }
0x6d: {  	s31 =	sor.u32 $0x800, s16;
	s0 =	sadd.s32 s4, s0  }
0x6e: {  	[hbm4b:s0+s31] =	stream.strided.scatter [tilespmem:s20], [sflag:$0x2], $0x4000, s9, s31, $0x38;
	[tilespmem:$0x10000] =	vst v63  }
.LBB1_8:
0x6f: {  	_ =	sfence.sel $0x180000  }
0x70: {  	s0 =	simm.s32 $0x1;
	[bflag:$0x0] =	sbarrier.arrive $0xFFFF  }
0x71: {  	s30 =	simm.s32 $0x2;
	[sflag:s0] =	ssyncpa.u1 $0x1  }
0x72: {  	[sflag:s30] =	ssyncpa.u1 $0x1  }
0x73: {  	_ =	strace $0x90000050  }
0x74: {  	s31 =	stileid.u32;
	[bflag:$0x2] =	sbarrier.arrive $0xFFFF  }
0x75: {  	p0 =	sne.s32 s31, $0x0;
	s0 =	rddreg [dreg:$0x2]  }
0x76: {  	s0 =	sadd.s32 @!p0 $0x100000, s0  }
0x77: {  	[sflag:s0] =	ssyncadd.tile.s32 @!p0 $0x1;
	_ =	shalt  }
.Lfunc_end1:
_tile_overlayer_lowered:
.L_overlay_start_2:
0x78: {  	(tag) =	ssettag $0x2  }
0x79: {  	s0 =	rddreg [dreg:$0x0];
	s2 =	stileid.u32  }
0x7a: {  	s1 =	rddreg [dreg:$0x1];
	p0 =	sne.s32 s2, $0x0  }
0x7b: {  	s3 =	rddreg [dreg:$0x2];
	[bflag:$0x3] =	sbarrier.arrive $0xFFFF;
	s2 =	simm.s32 @!p0 $0x1C01  }
0x7c: {  	[timem:s3], [sflag:s2] =	dma.local @!p0 [hbm:s0], s1  }
0x7d: {  	s0 =	simm.s32 @!p0 $0x1  }
0x7e: {  	_ =	swait.ge @!p0 [sflag:s0], s1  }
0x7f: {  	s1 =	ssub.s32 @!p0 $0x0, s1;
	[sflag:s0] =	ssyncset.done @!p0 $0x0  }
0x80: {  	[sflag:s0] =	ssyncadd.s32 @!p0 s1  }
0x81: {  	[bflag:$0x3] =	sbarrier.arrive $0xFFFF  }
0x82: {  	_ =	shalt  }

// kernel: sparse-core-data-format-call.2.cloned.1.call-start
scs
called_computation.4_lowered:
.L_overlay_start_0:
0x0: {  	s2 =	sld [smem:$0x3FD9]  }
0x1: {  	s3 =	sld [smem:$0x3FFE];
	_ =	sdelay $0x1  }
0x2: {  	s1 =	srdreg.scid  }
0x3: {  	s0 =	sand.u32 $0x1, s1  }
0x4: {  	s18 =	sshll.u32 s0, $0xA;
	s2 =	sadd.s32 s3, s2  }
0x5: {  	s2 =	sadd.s32 s2, s18  }
0x6: {  	[smem:$0x3FC5] =	sst s2  }
0x7: {  	_ = 	snop  }
0x8: {  	s19 =	sld [smem:$0x3FD0];
	(tm) =	ssettm $0x1  }
0x9: {  	s20 =	sld [smem:$0x3FFB];
	_ =	sdelay $0x3  }
0xa: {  	_ =	strace s20  }
0xb: {  	s2 =	sld [smem:$0x3FFC];
	_ =	sdelay $0x3  }
0xc: {  	_ =	strace s2  }
0xd: {  	s2 =	sld [smem:$0x3FFD];
	_ =	sdelay $0x3  }
0xe: {  	_ =	strace s2  }
0xf: {  	_ =	strace $0x8FFFFFFF  }
0x10: {  	s21 =	sld [smem:$0x3FDB];
	_ =	sdelay $0x1  }
0x11: {  	s4 =	simm.s32 $_scs_section_size  }
0x12: {  	s5 =	simm.s32 $_size__tile_overlayer_lowered;
	s6 =	simm.s32 $_tile_overlayer_lowered  }
0x13: {  	s7 =	simm.s32 $0x1BFF;
	s22 =	sshll.u32 s6, $0x1;
	s4 =	sadd.s32 s4, s21  }
0x14: {  	s23 =	simm.s32 $0x0;
	s5 =	sshll.u32 s5, $0x1;
	s6 =	sadd.s32 s22, s4  }
0x15: {  	[timem:s23], [sflag:s7] =	dma.local [hbm:s6], s5  }
0x16: {  	_ =	swait.ge [sflag:s7], s5  }
0x17: {  	s5 =	ssub.s32 $0x0, s5;
	[sflag:s7] =	ssyncset.done $0x0  }
0x18: {  	[sflag:s7] =	ssyncadd.s32 s5;
	_ =	sdelay $0x1  }
0x19: {  	s24 =	simm.s32 $0x1B8B  }
0x1a: {  	_ =	swait.ge [sflag:s24], $0x1  }
0x1b: {  	[sflag:s24] =	ssyncset.done $0x0  }
0x1c: {  	[sflag:s24] =	ssyncadd.s32 $0xFFFFFFFF  }
0x1d: {  	s5 =	sld [smem:$0x0]  }
0x1e: {  	s6 =	sand.u32 $0xFFFFFFFE, s1  }
0x1f: {  	p0 =	sne.s32 s1, s6  }
0x20: {  	s6 =	sshll.u32 @p0 s6, $0xE  }
0x21: {  	s6 =	sadd.s32 @p0 $0x11B8D, s6;
	s7 =	sshll.u32 @p0 s5, $0x11  }
0x22: {  	s6 =	sor.u32 @p0 s7, s6  }
0x23: {  	[sflag:s6] =	ssyncadd.remote.s32 @p0 $0x1;
	_ =	sdelay $0x1  }
0x24: {  	s6 =	simm.s32 @p0 $0x1B8D  }
0x25: {  	_ =	swait.eq @p0 [sflag:s6], $0x1  }
0x26: {  	[sflag:s6] =	ssyncadd.s32 @p0 $0xFFFFFFFF  }
0x27: {  	s7 =	sshll.u32 @!p0 s1, $0xE  }
0x28: {  	s7 =	sor.u32 @!p0 $0x4000, s7;
	s6 =	simm.s32 @!p0 $0x1B8D  }
0x29: {  	s5 =	sshll.u32 @!p0 s5, $0x11;
	s7 =	sadd.s32 @!p0 $0x11B8D, s7;
	_ =	swait.eq @!p0 [sflag:s6], $0x1  }
0x2a: {  	s5 =	sor.u32 @!p0 s5, s7;
	[sflag:s6] =	ssyncadd.s32 @!p0 $0xFFFFFFFF  }
0x2b: {  	s26 =	simm.s32 $0x1B8E;
	s25 =	sld [smem:$0x3FFE];
	[sflag:s5] =	ssyncadd.remote.s32 @!p0 $0x1  }
0x2c: {  	s27 =	simm.s32 $execute0_lowered;
	[smem:$0x3FD2] =	sst s26  }
0x2d: {  	s6 =	sshll.u32 s27, $0x1;
	_ =	strace $0x8000004C;
	[dreg:$0x1] =	wrdreg $0xFFFFFFFF  }
0x2e: {  	s28 =	simm.s32 $_size_execute0_lowered;
	s4 =	sadd.s32 s4, s6;
	[dreg:$0x0] =	wrdreg $0x0  }
0x2f: {  	s6 =	sshll.u32 s28, $0x1;
	[dreg:$0x2] =	wrdreg s4  }
0x30: {  	[dreg:$0x3] =	wrdreg s6  }
0x31: {  	[dreg:$0x4] =	wrdreg $0xC0  }
0x32: {  	_ =	task [dreg:s23], $0x5FFFF  }
0x33: {  	[dreg:$0x1] =	wrdreg $0xFFFFFFFF  }
0x34: {  	[dreg:$0x0] =	wrdreg $0x60  }
0x35: {  	[dreg:$0x2] =	wrdreg s25  }
0x36: {  	[dreg:$0x3] =	wrdreg s19  }
0x37: {  	[dreg:$0x4] =	wrdreg $0xA  }
0x38: {  	_ =	task.clear_ibuf [dreg:s23], $0x5FFFF;
	_ =	strace $0x9000004C  }
0x39: {  	s29 =	simm.s32 $0xA;
	_ =	strace $0x8000004E  }
0x3a: {  	_ =	swait.ge [sflag:s29], $0x1  }
0x3b: {  	[sflag:s29] =	ssyncadd.s32 $0xFFFFFFFF  }
0x3c: {  	_ =	strace $0x9000004E  }
0x3d: {  	_ =	sfence  }
0x3e: {  	s30 =	sld [smem:$0x0];
	_ =	sdelay $0x2  }
0x3f: {  	s31 =	sshll.u32 s1, $0xD;
	s1 =	sshrl.u32 s1, $0x2  }
0x40: {  	s4 =	sand.u32 $0x4000, s31;
	s1 =	sadd.s32 s1, s30  }
0x41: {  	s0 =	sor.u32 s4, s0;
	s1 =	sshll.u32 s1, $0x11  }
0x42: {  	s0 =	sor.u32 s1, s0  }
0x43: {  	s0 =	sadd.s32 $0x8F2B, s0  }
0x44: {  	[sflag:s0] =	ssyncadd.remote.s32 $0x1  }
0x45: {  	_ =	sfence.sel $0xFFFF  }
0x46: {  	[dreg:$0x0] =	wrdreg $0xFFFFFFFF;
	(pc) =	sbr.abs _section_cstart, $3  }
0x47: {  	[dreg:$0x1] =	wrdreg $0xFFFFFFFF  }
0x48: {  	_ =	task.clear_ibuf [dreg:s23], $0x2FFFF;
	_ =	strace $0x9FFFFFFF  }
0x49: {  	(tm) =	ssettm $0x7FFFFFFF  }
tec
execute0_lowered:
.L_overlay_start_1:
0x0: {  	(tag) =	ssettag $0x1  }
0x1: {  	s0 =	srdreg.scid  }
0x2: {  	s1 =	sshll.u32 s0, $0x4  }
0x3: {  	s4 =	rddreg [dreg:$0x0];
	s0 =	stileid.u32;
	s1 =	sand.u32 $0x10, s1  }
0x4: {  	s2 =	rddreg [dreg:$0x1];
	s7 =	simm.s32 $0x1;
	s1 =	sor.u32 s0, s1  }
0x5: {  	s8 =	simm.s32 $0x2;
	s11 =	simm.s32 $0x0;
	s3 =	sshll.u32 s1, $0x7  }
0x6: {  	s10 =	simm.s32 $0x0;
	s4 =	sadd.s32 $0x418000, s4;
	s6 =	ssub.s32 $0x100000, s3  }
.Ltmp0:
0x7: {  	s1 =	rddreg [dreg:$0x2];
	s5 =	sand.u32 $0xF80, s6;
	(pc) =	sbr.rel .LBB1_1-.Ltmp0, $4  }
0x8: {  	_ =	strace $0x8000004D;
	s9 =	smov.u32 s3;
	p0 =	sne.s32 s5, $0x0  }
0x9: {  	s6 =	sshrl.u32 s6, $0xC;
	s5 =	simm.s32 $0x1;
	s7 =	simm.s32 @!p0 $0x0  }
0xa: {  	[sflag:s5] =	ssyncpa.u1 $0x0;
	p0 =	por $0x0, $0x0;
	s6 =	sadd.s32 s7, s6  }
0xb: {  	[sflag:s8] =	ssyncpa.u1 $0x0;
	s8 =	simm.s32 $0x800000;
	s7 =	sadd.s32 $0x1, s6  }
.LBB1_4:
0xc: {  	[tilespmem:s12+$0xFFFFFFFC ss:$0x81] =	vst.msk $0xffff, v2;
	s14 =	sshll.u32 s11, $0x3  }
0xd: {  	[tilespmem:s12+$0xFFFFFFFD ss:$0x81] =	vst.msk $0xffff, v3;
	s15 =	sand.u32 $0x78, s11;
	s14 =	sand.u32 $0xFFC00, s14  }
0xe: {  	[tilespmem:s12+$0xFFFFFFFE ss:$0x81] =	vst.msk $0xffff, v1;
	s29 =	sand.u32 $0x1E0000, s11;
	s30 =	sand.u32 $0x7, s11;
	s14 =	sor.u32 s15, s14  }
0xf: {  	[tilespmem:s12+$0xFFFFFFFF ss:$0x81] =	vst.msk $0xffff, v4;
	s11 =	sshll.u32 s30, $0x12;
	s15 =	sadd.s32 s2, s29;
	s14 =	sshrl.u32 s14, $0x3  }
0x10: {  	[tilespmem:s12+$0xFFFFFFF9 ss:$0x81] =	vst.msk $0xffff, v0;
	s11 =	sor.u32 $0x400, s11;
	s31 =	sadd.s32 s14, s15  }
0x11: {  	[hbm4b:s31+s11] =	stream.strided.scatter [tilespmem:s13], [sflag:$0x2], $0x800, s8, s11, $0x20;
	[tilespmem:$0x2020] =	vst v63  }
.LBB1_5:
0x12: {  	s13 =	sadd.s32 $0x1000, s9  }
0x13: {  	p2 =	sgt.s32 s13, $0xFFFFF  }
0x14: {  	s13 =	smov.u32 @p2 s3;
	p2 =	sne.s32 s10, s7  }
.Ltmp1:
0x15: {  	p1 =	slt.u32 s10, $0x2;
	(pc) =	sbr.rel @!p2 .LBB1_6-.Ltmp1, $4  }
0x16: {  	s12 =	simm.s32 @!p1 $0x2  }
0x17: {  	s14 =	sadd.s32 $0x1, s10;
	_ =	swait.ge @!p1 [sflag:s12], $0x800  }
0x18: {  	s11 =	smov.u32 s9;
	p0 =	por !p0, !p0;
	[sflag:s12] =	ssyncset.done @!p1 $0x0  }
0x19: {  	s10 =	smov.u32 s14;
	s9 =	smov.u32 s13;
	[sflag:s12] =	ssyncadd.s32 @!p1 $0xFFFFF800  }
.LBB1_1:
0x1a: {  	p1 =	sge.u32 s10, s6  }
0x1b: {  	s31 =	sadd.s32 $0xFFFFFFFF, s10;
	s12 =	sxor.u32 @!p1 $0xFFFFFFFF, s10;
	s13 =	sshll.u32 @!p1 s9, $0x4  }
0x1c: {  	s14 =	simm.s32 @!p1 $0x10;
	s12 =	sshll.u32 @!p1 s12, $0xB;
	s13 =	sand.u32 @!p1 $0xFFFFF0, s13  }
0x1d: {  	s15 =	simm.s32 @!p1 $0x80;
	s12 =	sand.u32 @!p1 $0x800, s12;
	s13 =	sadd.s32 @!p1 s4, s13  }
0x1e: {  	[tilespmem:s12], [sflag:$0x1] =	stream.strided.gather @!p1 [hbm4b:s13+s14], $0x800, s15, s14, $0x38;
	[tilespmem:$0x2020] =	vst v63  }
0x1f: {  	p1 =	sge.u32 s31, s6  }
.Ltmp2:
0x20: {  	_ = 	snop;
	(pc) =	sbr.rel @p1 .LBB1_5-.Ltmp2, $1  }
0x21: {  	_ =	sdelay $0x3  }
0x22: {  	s12 =	simm.s32 $0x1  }
0x23: {  	_ =	swait.ge [sflag:s5], $0x800;
	s12 =	simm.s32 @!p0 $0x0  }
0x24: {  	[sflag:s5] =	ssyncset.done $0x0;
	s13 =	sshll.u32 s12, $0xB  }
0x25: {  	[sflag:s5] =	ssyncadd.s32 $0xFFFFF800;
	s15 =	sor.u32 $0x40, s13  }
0x26: {  	v0 =	vld [tilespmem:s15+$0x30]  }
0x27: {  	s12 =	smul.u32 $0x2040, s12;
	v4 =	vld [tilespmem:s15+$0xFFFFFFD0]  }
0x28: {  	v5 =	vld [tilespmem:s15+$0xFFFFFFE0]  }
0x29: {  	s31 =	sand.u32 $0x1, s10;
	s12 =	sshrl.u32 s12, $0x2;
	v2 =	vld [tilespmem:s15+$0xFFFFFFF0]  }
0x2a: {  	s13 =	smul.u32 $0x2040, s31;
	v3 =	vld [tilespmem:s15+$0x0];
	s12 =	sor.u32 $0x1007, s12  }
0x2b: {  	v1 =	vld [tilespmem:s15+$0x10];
	[tilespmem:s12+$0x0 ss:$0x81] =	vst.msk $0xffff, v0  }
0x2c: {  	s13 =	sshrl.u32 s13, $0x2;
	[tilespmem:s12+$0xFFFFFFFA ss:$0x81] =	vst.msk $0xffff, v4;
	v4 =	vld [tilespmem:s15+$0x20]  }
0x2d: {  	s14 =	simm.s32 $0x0;
	s13 =	sor.u32 $0x1000, s13;
	v0 =	vld [tilespmem:s15+$0xFFFFFFC0];
	[tilespmem:s12+$0xFFFFFFFB ss:$0x81] =	vst.msk $0xffff, v5;
	s15 =	sadd.s32 $0x80, s15  }
.LBB1_3:
0x2e: {  	v5 =	vld [tilespmem:s15+$0x30];
	s14 =	sadd.s32 $0x8, s14;
	[tilespmem:s12+$0xFFFFFFFC ss:$0x81] =	vst.msk $0xffff, v2  }
0x2f: {  	v6 =	vld [tilespmem:s15+$0xFFFFFFD0];
	p1 =	slt.u32 s14, $0x78;
	[tilespmem:s12+$0xFFFFFFFD ss:$0x81] =	vst.msk $0xffff, v3  }
0x30: {  	v7 =	vld [tilespmem:s15+$0xFFFFFFE0];
	[tilespmem:s12+$0xFFFFFFFE ss:$0x81] =	vst.msk $0xffff, v1  }
.Ltmp3:
0x31: {  	v2 =	vld [tilespmem:s15+$0xFFFFFFF0];
	[tilespmem:s12+$0xFFFFFFFF ss:$0x81] =	vst.msk $0xffff, v4;
	(pc) =	sbr.rel @p1 .LBB1_3-.Ltmp3, $4  }
0x32: {  	v3 =	vld [tilespmem:s15+$0x0];
	[tilespmem:s12+$0xFFFFFFF9 ss:$0x81] =	vst.msk $0xffff, v0;
	s12 =	sadd.s32 $0x8, s12  }
0x33: {  	v1 =	vld [tilespmem:s15+$0x10];
	[tilespmem:s12+$0x0 ss:$0x81] =	vst.msk $0xffff, v5  }
0x34: {  	[tilespmem:s12+$0xFFFFFFFA ss:$0x81] =	vst.msk $0xffff, v6;
	v4 =	vld [tilespmem:s15+$0x20]  }
0x35: {  	v0 =	vld [tilespmem:s15+$0xFFFFFFC0];
	[tilespmem:s12+$0xFFFFFFFB ss:$0x81] =	vst.msk $0xffff, v7;
	s15 =	sadd.s32 $0x80, s15  }
.Ltmp4:
0x36: {  	_ = 	snop;
	(pc) =	sbr.rel .LBB1_4-.Ltmp4, $1  }
0x37: {  	_ =	sdelay $0x3  }
.LBB1_6:
0x38: {  	_ =	sfence.sel $0x180000  }
0x39: {  	s2 =	simm.s32 $0x1;
	[bflag:$0x0] =	sbarrier.arrive $0xFFFF  }
0x3a: {  	s31 =	simm.s32 $0x2;
	[sflag:s2] =	ssyncpa.u1 $0x1  }
0x3b: {  	[sflag:s31] =	ssyncpa.u1 $0x1  }
0x3c: {  	p0 =	sne.s32 s0, $0x0;
	_ =	strace $0x9000004D  }
0x3d: {  	s0 =	sadd.s32 @!p0 $0x100000, s1;
	[bflag:$0x2] =	sbarrier.arrive $0xFFFF  }
0x3e: {  	[sflag:s0] =	ssyncadd.tile.s32 @!p0 $0x1;
	_ =	shalt  }
.Lfunc_end1:
_tile_overlayer_lowered:
.L_overlay_start_2:
0x3f: {  	(tag) =	ssettag $0x2  }
0x40: {  	s0 =	rddreg [dreg:$0x0];
	s2 =	stileid.u32  }
0x41: {  	s1 =	rddreg [dreg:$0x1];
	p0 =	sne.s32 s2, $0x0  }
0x42: {  	s3 =	rddreg [dreg:$0x2];
	[bflag:$0x3] =	sbarrier.arrive $0xFFFF;
	s2 =	simm.s32 @!p0 $0x1C01  }
0x43: {  	[timem:s3], [sflag:s2] =	dma.local @!p0 [hbm:s0], s1  }
0x44: {  	s0 =	simm.s32 @!p0 $0x1  }
0x45: {  	_ =	swait.ge @!p0 [sflag:s0], s1  }
0x46: {  	s1 =	ssub.s32 @!p0 $0x0, s1;
	[sflag:s0] =	ssyncset.done @!p0 $0x0  }
0x47: {  	[sflag:s0] =	ssyncadd.s32 @!p0 s1  }
0x48: {  	[bflag:$0x3] =	sbarrier.arrive $0xFFFF  }
0x49: {  	_ =	shalt  }

// kernel: sparse-core-data-format-call.cloned.1.call-start
scs
called_computation.2_lowered:
.L_overlay_start_0:
0x0: {  	s2 =	sld [smem:$0x3FD9]  }
0x1: {  	s3 =	sld [smem:$0x3FFE];
	_ =	sdelay $0x1  }
0x2: {  	s1 =	srdreg.scid  }
0x3: {  	s0 =	sand.u32 $0x1, s1  }
0x4: {  	s18 =	sshll.u32 s0, $0xA;
	s2 =	sadd.s32 s3, s2  }
0x5: {  	s2 =	sadd.s32 s2, s18  }
0x6: {  	[smem:$0x3FC5] =	sst s2  }
0x7: {  	_ = 	snop  }
0x8: {  	s2 =	sld [smem:$0x3FD0];
	(tm) =	ssettm $0x1  }
0x9: {  	s19 =	sld [smem:$0x3FFB];
	_ =	sdelay $0x3  }
0xa: {  	_ =	strace s19  }
0xb: {  	s3 =	sld [smem:$0x3FFC];
	_ =	sdelay $0x3  }
0xc: {  	_ =	strace s3  }
0xd: {  	s3 =	sld [smem:$0x3FFD];
	_ =	sdelay $0x3  }
0xe: {  	_ =	strace s3  }
0xf: {  	_ =	strace $0x8FFFFFFF  }
0x10: {  	s20 =	sld [smem:$0x3FDB];
	_ =	sdelay $0x1  }
0x11: {  	s4 =	simm.s32 $_scs_section_size  }
0x12: {  	s5 =	simm.s32 $_size__tile_overlayer_lowered;
	s6 =	simm.s32 $_tile_overlayer_lowered  }
0x13: {  	s23 =	simm.s32 $0x1BFF;
	s22 =	sshll.u32 s6, $0x1;
	s3 =	sadd.s32 s4, s20  }
0x14: {  	s7 =	simm.s32 $0x0;
	s21 =	sshll.u32 s5, $0x1;
	s5 =	sadd.s32 s22, s3  }
0x15: {  	[timem:s7], [sflag:s23] =	dma.local [hbm:s5], s21  }
0x16: {  	_ =	swait.ge [sflag:s23], s21  }
0x17: {  	s4 =	ssub.s32 $0x0, s21;
	[sflag:s23] =	ssyncset.done $0x0  }
0x18: {  	[sflag:s23] =	ssyncadd.s32 s4;
	_ =	sdelay $0x1  }
0x19: {  	s24 =	simm.s32 $0x1B8B  }
0x1a: {  	_ =	swait.ge [sflag:s24], $0x1  }
0x1b: {  	[sflag:s24] =	ssyncset.done $0x0  }
0x1c: {  	s26 =	simm.s32 $0x1B8E;
	s25 =	sld [smem:$0x3FFE];
	[sflag:s24] =	ssyncadd.s32 $0xFFFFFFFF  }
0x1d: {  	s27 =	simm.s32 $execute0_lowered;
	[smem:$0x3FD2] =	sst s26  }
0x1e: {  	s5 =	sshll.u32 s27, $0x1;
	_ =	strace $0x80000052;
	[dreg:$0x1] =	wrdreg $0xFFFFFFFF  }
0x1f: {  	s28 =	simm.s32 $_size_execute0_lowered;
	s3 =	sadd.s32 s3, s5;
	[dreg:$0x0] =	wrdreg $0x0  }
0x20: {  	s5 =	sshll.u32 s28, $0x1;
	[dreg:$0x2] =	wrdreg s3  }
0x21: {  	[dreg:$0x3] =	wrdreg s5  }
0x22: {  	[dreg:$0x4] =	wrdreg $0xC0  }
0x23: {  	_ =	task [dreg:s7], $0x5FFFF  }
0x24: {  	[dreg:$0x1] =	wrdreg $0xFFFFFFFF  }
0x25: {  	[dreg:$0x0] =	wrdreg $0x60  }
0x26: {  	[dreg:$0x2] =	wrdreg s25  }
0x27: {  	[dreg:$0x3] =	wrdreg s2  }
0x28: {  	[dreg:$0x4] =	wrdreg $0x9  }
0x29: {  	_ =	task.clear_ibuf [dreg:s7], $0x5FFFF;
	_ =	strace $0x90000052  }
0x2a: {  	s29 =	simm.s32 $0x9;
	_ =	strace $0x80000054  }
0x2b: {  	_ =	swait.ge [sflag:s29], $0x1  }
0x2c: {  	[sflag:s29] =	ssyncadd.s32 $0xFFFFFFFF  }
0x2d: {  	_ =	strace $0x90000054  }
0x2e: {  	_ =	sfence  }
0x2f: {  	s30 =	sld [smem:$0x0];
	_ =	sdelay $0x2  }
0x30: {  	s31 =	sshll.u32 s1, $0xD;
	s1 =	sshrl.u32 s1, $0x2  }
0x31: {  	s3 =	sand.u32 $0x4000, s31;
	s1 =	sadd.s32 s1, s30  }
0x32: {  	s0 =	sor.u32 s3, s0;
	s1 =	sshll.u32 s1, $0x11  }
0x33: {  	s0 =	sor.u32 s1, s0  }
0x34: {  	s0 =	sadd.s32 $0x8F2B, s0  }
0x35: {  	[sflag:s0] =	ssyncadd.remote.s32 $0x1  }
0x36: {  	_ =	sfence.sel $0xFFFF  }
0x37: {  	[dreg:$0x0] =	wrdreg $0xFFFFFFFF;
	(pc) =	sbr.abs _section_cstart, $3  }
0x38: {  	[dreg:$0x1] =	wrdreg $0xFFFFFFFF  }
0x39: {  	_ =	task.clear_ibuf [dreg:s7], $0x2FFFF;
	_ =	strace $0x9FFFFFFF  }
0x3a: {  	(tm) =	ssettm $0x7FFFFFFF  }
0x3b: {  	_ =	shalt  }
tec
execute0_lowered:
.L_overlay_start_1:
0x0: {  	(tag) =	ssettag $0x1  }
0x1: {  	s6 =	rddreg [dreg:$0x0];
	s0 =	srdreg.scid;
	_ =	strace $0x80000053  }
0x2: {  	s5 =	stileid.u32;
	s2 =	simm.s32 $0x1;
	s30 =	simm.s32 $0x2  }
0x3: {  	s15 =	simm.s32 $0x0;
	s14 =	simm.s32 $0x0;
	s7 =	sand.u32 $0x1, s0  }
0x4: {  	s16 =	simm.s32 $0x0;
	s11 =	simm.s32 $0x0;
	s0 =	ssub.s32 $0x4, s7  }
.Ltmp0:
0x5: {  	s13 =	stileid.u32;
	s1 =	sshrl.u32 s0, $0x1;
	(pc) =	sbr.rel .LBB1_1-.Ltmp0, $4  }
0x6: {  	s10 =	simm.s32 $0x0;
	s3 =	sadd.s32 s7, s1;
	s0 =	ssub.s32 s0, s1  }
0x7: {  	[dreg:$0x3] =	wrdreg s7;
	s31 =	sshll.u32 s3, $0x4;
	s8 =	sshll.u32 s0, $0x4  }
0x8: {  	[sflag:s2] =	ssyncpa.u1 $0x0;
	s9 =	ssub.s32 $0x42, s31;
	[dreg:$0x4] =	wrdreg s8  }
0x9: {  	[sflag:s30] =	ssyncpa.u1 $0x0;
	s12 =	smov.u32 s7;
	[dreg:$0x5] =	wrdreg s9  }
.LBB1_4:
0xa: {  	_ =	sdelay $0x3  }
0xb: {  	[tilespmem:v0+s26+$0x0 ss:$0x1] =	vst.idx.msk $0xffff, v7  }
0xc: {  	s19 =	sor.u32 s1, s0;
	v30 =	vld.idx.msk [tilespmem:v1+s20+$0x0 ss:$0x1], $0xffff;
	[tilespmem:v0+s25+$0x0 ss:$0x1] =	vst.idx.msk $0xffff, v6  }
0xd: {  	[tilespmem:v0+s24+$0x0 ss:$0x1] =	vst.idx.msk $0xffff, v4;
	v31 =	vld.idx.msk [tilespmem:v1+s18+$0x0 ss:$0x1], $0xffff;
	s25 =	sor.u32 $0x410, s19  }
0xe: {  	[tilespmem:v0+s22+$0x0 ss:$0x1] =	vst.idx.msk $0xffff, v3;
	s31 =	sor.u32 $0x420, s19;
	v32 =	vld.idx.msk [tilespmem:v1+s25+$0x0 ss:$0x1], $0xffff  }
0xf: {  	[tilespmem:v0+s23+$0x0 ss:$0x1] =	vst.idx.msk $0xffff, v2;
	s6 =	sor.u32 $0x430, s19;
	v44 =	vld.idx.msk [tilespmem:v1+s31+$0x0 ss:$0x1], $0xffff  }
0x10: {  	[tilespmem:v0+s21+$0x0 ss:$0x1] =	vst.idx.msk $0xffff, v5;
	s7 =	sor.u32 $0x440, s19;
	v45 =	vld.idx.msk [tilespmem:v1+s6+$0x0 ss:$0x1], $0xffff  }
0x11: {  	s8 =	sor.u32 $0x450, s19;
	v46 =	vld.idx.msk [tilespmem:v1+s7+$0x0 ss:$0x1], $0xffff;
	[tilespmem:v0+s20+$0x0 ss:$0x1] =	vst.idx.msk $0xffff, v30  }
0x12: {  	s9 =	sor.u32 $0x460, s19;
	v47 =	vld.idx.msk [tilespmem:v1+s8+$0x0 ss:$0x1], $0xffff;
	[tilespmem:v0+s18+$0x0 ss:$0x1] =	vst.idx.msk $0xffff, v31  }
0x13: {  	s10 =	sor.u32 $0x470, s19;
	v48 =	vld.idx.msk [tilespmem:v1+s9+$0x0 ss:$0x1], $0xffff;
	[tilespmem:v0+s25+$0x0 ss:$0x1] =	vst.idx.msk $0xffff, v32  }
0x14: {  	s11 =	sor.u32 $0x810, s19;
	v49 =	vld.idx.msk [tilespmem:v1+s10+$0x0 ss:$0x1], $0xffff;
	[tilespmem:v0+s31+$0x0 ss:$0x1] =	vst.idx.msk $0xffff, v44  }
0x15: {  	s12 =	sor.u32 $0x820, s19;
	v50 =	vld.idx.msk [tilespmem:v1+s11+$0x0 ss:$0x1], $0xffff;
	[tilespmem:v0+s6+$0x0 ss:$0x1] =	vst.idx.msk $0xffff, v45  }
0x16: {  	s13 =	sor.u32 $0x830, s19;
	v51 =	vld.idx.msk [tilespmem:v1+s12+$0x0 ss:$0x1], $0xffff;
	[tilespmem:v0+s7+$0x0 ss:$0x1] =	vst.idx.msk $0xffff, v46  }
0x17: {  	s14 =	sor.u32 $0x840, s19;
	v52 =	vld.idx.msk [tilespmem:v1+s13+$0x0 ss:$0x1], $0xffff;
	[tilespmem:v0+s8+$0x0 ss:$0x1] =	vst.idx.msk $0xffff, v47  }
0x18: {  	s15 =	sor.u32 $0x850, s19;
	v53 =	vld.idx.msk [tilespmem:v1+s14+$0x0 ss:$0x1], $0xffff;
	[tilespmem:v0+s9+$0x0 ss:$0x1] =	vst.idx.msk $0xffff, v48  }
0x19: {  	s16 =	sor.u32 $0x860, s19;
	v54 =	vld.idx.msk [tilespmem:v1+s15+$0x0 ss:$0x1], $0xffff;
	[tilespmem:v0+s10+$0x0 ss:$0x1] =	vst.idx.msk $0xffff, v49  }
0x1a: {  	s17 =	sand.u32 $0x180, s17;
	s1 =	sand.u32 $0x3200, s19;
	s21 =	sor.u32 $0xC30, s19;
	v55 =	vld.idx.msk [tilespmem:v1+s16+$0x0 ss:$0x1], $0xffff;
	[tilespmem:v0+s11+$0x0 ss:$0x1] =	vst.idx.msk $0xffff, v50  }
0x1b: {  	s0 =	sor.u32 s17, s1;
	v59 =	vld.idx.msk [tilespmem:v1+s21+$0x0 ss:$0x1], $0xffff;
	[tilespmem:v0+s12+$0x0 ss:$0x1] =	vst.idx.msk $0xffff, v51  }
0x1c: {  	s17 =	sor.u32 $0x870, s19;
	v37 =	vld.idx.msk [tilespmem:v1+s0+$0x0 ss:$0x1], $0xffff;
	[tilespmem:v0+s13+$0x0 ss:$0x1] =	vst.idx.msk $0xffff, v52  }
0x1d: {  	s2 =	sor.u32 $0xC00, s0;
	v56 =	vld.idx.msk [tilespmem:v1+s17+$0x0 ss:$0x1], $0xffff;
	[tilespmem:v0+s14+$0x0 ss:$0x1] =	vst.idx.msk $0xffff, v53  }
0x1e: {  	s3 =	sor.u32 $0x10, s0;
	v33 =	vld.idx.msk [tilespmem:v1+s2+$0x0 ss:$0x1], $0xffff;
	[tilespmem:v0+s15+$0x0 ss:$0x1] =	vst.idx.msk $0xffff, v54  }
0x1f: {  	s4 =	sor.u32 $0x20, s0;
	v34 =	vld.idx.msk [tilespmem:v1+s3+$0x0 ss:$0x1], $0xffff;
	[tilespmem:v0+s16+$0x0 ss:$0x1] =	vst.idx.msk $0xffff, v55  }
0x20: {  	s5 =	sor.u32 $0x30, s0;
	v35 =	vld.idx.msk [tilespmem:v1+s4+$0x0 ss:$0x1], $0xffff;
	[tilespmem:v0+s21+$0x0 ss:$0x1] =	vst.idx.msk $0xffff, v59  }
0x21: {  	s26 =	sor.u32 $0x40, s0;
	v36 =	vld.idx.msk [tilespmem:v1+s5+$0x0 ss:$0x1], $0xffff;
	[tilespmem:v0+s0+$0x0 ss:$0x1] =	vst.idx.msk $0xffff, v37  }
0x22: {  	s27 =	sor.u32 $0x50, s0;
	v38 =	vld.idx.msk [tilespmem:v1+s26+$0x0 ss:$0x1], $0xffff;
	[tilespmem:v0+s17+$0x0 ss:$0x1] =	vst.idx.msk $0xffff, v56  }
0x23: {  	s28 =	sor.u32 $0x60, s0;
	v39 =	vld.idx.msk [tilespmem:v1+s27+$0x0 ss:$0x1], $0xffff;
	[tilespmem:v0+s2+$0x0 ss:$0x1] =	vst.idx.msk $0xffff, v33  }
0x24: {  	s29 =	sor.u32 $0x70, s0;
	v40 =	vld.idx.msk [tilespmem:v1+s28+$0x0 ss:$0x1], $0xffff;
	[tilespmem:v0+s3+$0x0 ss:$0x1] =	vst.idx.msk $0xffff, v34  }
0x25: {  	s30 =	sor.u32 $0x400, s0;
	v41 =	vld.idx.msk [tilespmem:v1+s29+$0x0 ss:$0x1], $0xffff;
	[tilespmem:v0+s4+$0x0 ss:$0x1] =	vst.idx.msk $0xffff, v35  }
0x26: {  	v42 =	vld.idx.msk [tilespmem:v1+s30+$0x0 ss:$0x1], $0xffff;
	s18 =	sor.u32 $0xC10, s19;
	[tilespmem:v0+s5+$0x0 ss:$0x1] =	vst.idx.msk $0xffff, v36  }
0x27: {  	s20 =	sor.u32 $0xC20, s19;
	v57 =	vld.idx.msk [tilespmem:v1+s18+$0x0 ss:$0x1], $0xffff;
	[tilespmem:v0+s26+$0x0 ss:$0x1] =	vst.idx.msk $0xffff, v38  }
0x28: {  	v58 =	vld.idx.msk [tilespmem:v1+s20+$0x0 ss:$0x1], $0xffff;
	s0 =	sor.u32 $0x800, s0;
	[tilespmem:v0+s27+$0x0 ss:$0x1] =	vst.idx.msk $0xffff, v39  }
0x29: {  	s22 =	sor.u32 $0xC40, s19;
	v43 =	vld.idx.msk [tilespmem:v1+s0+$0x0 ss:$0x1], $0xffff;
	[tilespmem:v0+s28+$0x0 ss:$0x1] =	vst.idx.msk $0xffff, v40  }
0x2a: {  	s23 =	sor.u32 $0xC50, s19;
	v60 =	vld.idx.msk [tilespmem:v1+s22+$0x0 ss:$0x1], $0xffff;
	[tilespmem:v0+s29+$0x0 ss:$0x1] =	vst.idx.msk $0xffff, v41  }
0x2b: {  	s24 =	sor.u32 $0xC60, s19;
	v61 =	vld.idx.msk [tilespmem:v1+s23+$0x0 ss:$0x1], $0xffff;
	[tilespmem:v0+s30+$0x0 ss:$0x1] =	vst.idx.msk $0xffff, v42  }
0x2c: {  	v62 =	vld.idx.msk [tilespmem:v1+s24+$0x0 ss:$0x1], $0xffff;
	s25 =	sor.u32 $0xC70, s19;
	[tilespmem:v0+s18+$0x0 ss:$0x1] =	vst.idx.msk $0xffff, v57  }
0x2d: {  	v63 =	vld.idx.msk [tilespmem:v1+s25+$0x0 ss:$0x1], $0xffff;
	[tilespmem:v0+s20+$0x0 ss:$0x1] =	vst.idx.msk $0xffff, v58  }
0x2e: {  	s6 =	rddreg [dreg:$0x0];
	[tilespmem:v0+s0+$0x0 ss:$0x1] =	vst.idx.msk $0xffff, v43  }
0x2f: {  	s4 =	rddreg [dreg:$0xb];
	[tilespmem:v0+s22+$0x0 ss:$0x1] =	vst.idx.msk $0xffff, v60  }
0x30: {  	s5 =	rddreg [dreg:$0xc];
	[tilespmem:v0+s23+$0x0 ss:$0x1] =	vst.idx.msk $0xffff, v61  }
0x31: {  	s28 =	rddreg [dreg:$0xa];
	[tilespmem:v0+s24+$0x0 ss:$0x1] =	vst.idx.msk $0xffff, v62  }
0x32: {  	s29 =	rddreg [dreg:$0x1];
	[tilespmem:v0+s25+$0x0 ss:$0x1] =	vst.idx.msk $0xffff, v63  }
0x33: {  	s2 =	rddreg [dreg:$0xd]  }
0x34: {  	s31 =	simm.s32 $0x0;
	s7 =	rddreg [dreg:$0x3]  }
0x35: {  	s26 =	sshll.u32 s4, $0x9;
	s4 =	sshll.u32 s4, $0x7;
	s8 =	rddreg [dreg:$0x4]  }
0x36: {  	s3 =	sand.u32 $0x3F000, s26;
	s4 =	sand.u32 $0x380, s4;
	s9 =	rddreg [dreg:$0x5]  }
0x37: {  	s5 =	sshll.u32 s5, $0xF;
	s27 =	sor.u32 s4, s3;
	s10 =	rddreg [dreg:$0x6]  }
0x38: {  	s3 =	sshll.u32 s28, $0x13;
	s4 =	sadd.s32 s29, s5;
	s11 =	rddreg [dreg:$0x7]  }
0x39: {  	s12 =	rddreg [dreg:$0x8];
	s30 =	sadd.s32 s3, s4;
	s0 =	sshrl.u32 s27, $0x3  }
0x3a: {  	s5 =	stileid.u32;
	s13 =	rddreg [dreg:$0x9];
	s0 =	sadd.s32 s0, s30  }
0x3b: {  	[hbm4b:s0+s31] =	stream.linear.scatter [tilespmem:s2], [sflag:$0x2], $0x4000, $0x38;
	[tilespmem:$0x10000] =	vst v63  }
.LBB1_5:
0x3c: {  	s0 =	sadd.s32 $0x20, s11  }
0x3d: {  	s1 =	sadd.s32 $0x2, s12;
	s2 =	smov.u32 s12;
	p1 =	sgt.s32 s0, $0x1FF  }
0x3e: {  	s2 =	smov.u32 @p1 s1  }
0x3f: {  	s3 =	sadd.s32 $0x10, s13;
	s4 =	smov.u32 s13;
	p2 =	sgt.s32 s2, $0x3  }
0x40: {  	p0 =	slt.u32 s10, $0x2;
	s4 =	smov.u32 @p2 s3  }
0x41: {  	s10 =	sadd.s32 $0x1, s10;
	s0 =	simm.s32 @p1 $0x0;
	p1 =	sgt.s32 s4, $0xF  }
0x42: {  	s4 =	smov.u32 @p1 s5;
	p1 =	sne.s32 s10, s9  }
.Ltmp1:
0x43: {  	_ = 	snop;
	(pc) =	sbr.rel @!p1 .LBB1_6-.Ltmp1, $4  }
0x44: {  	s15 =	smov.u32 s11;
	s1 =	simm.s32 @!p0 $0x2  }
0x45: {  	s14 =	smov.u32 s12;
	s16 =	smov.u32 s13;
	_ =	swait.ge @!p0 [sflag:s1], $0x4000  }
0x46: {  	s11 =	smov.u32 s0;
	s2 =	smov.u32 @p2 s7;
	[sflag:s1] =	ssyncset.done @!p0 $0x0  }
0x47: {  	[sflag:s1] =	ssyncadd.s32 @!p0 $0xFFFFC000;
	s12 =	smov.u32 s2;
	s13 =	smov.u32 s4  }
.LBB1_1:
0x48: {  	p0 =	sge.u32 s10, s8;
	s31 =	sadd.s32 $0xFFFFFFFF, s10  }
0x49: {  	s0 =	sxor.u32 @!p0 $0xFFFFFFFF, s10;
	s1 =	sshll.u32 @!p0 s11, $0x9;
	s2 =	sshll.u32 @!p0 s11, $0x7  }
0x4a: {  	s3 =	sshll.u32 @!p0 s13, $0x11;
	s1 =	sand.u32 @!p0 $0x3F000, s1;
	s2 =	sand.u32 @!p0 $0x380, s2  }
0x4b: {  	s4 =	sshll.u32 @!p0 s12, $0xF;
	s1 =	sor.u32 @!p0 s2, s1;
	s2 =	sadd.s32 @!p0 s6, s3  }
0x4c: {  	s0 =	sshll.u32 @!p0 s0, $0xE;
	s1 =	sshrl.u32 @!p0 s1, $0x3;
	s2 =	sadd.s32 @!p0 s4, s2  }
0x4d: {  	s0 =	sand.u32 @!p0 $0x4000, s0;
	s1 =	sadd.s32 @!p0 s1, s2;
	s2 =	simm.s32 @!p0 $0x0  }
0x4e: {  	[tilespmem:s0], [sflag:$0x1] =	stream.linear.gather @!p0 [hbm4b:s1+s2], $0x4000, $0x38;
	[tilespmem:$0x10000] =	vst v63  }
0x4f: {  	p0 =	sge.u32 s31, s8  }
.Ltmp2:
0x50: {  	_ = 	snop;
	(pc) =	sbr.rel @p0 .LBB1_5-.Ltmp2, $1  }
0x51: {  	_ =	sdelay $0x3  }
0x52: {  	[dreg:$0xc] =	wrdreg s16  }
0x53: {  	[dreg:$0xb] =	wrdreg s15  }
0x54: {  	[dreg:$0xa] =	wrdreg s14  }
0x55: {  	[dreg:$0x9] =	wrdreg s13  }
0x56: {  	[dreg:$0x8] =	wrdreg s12;
	s0 =	sshll.u32 s10, $0xE  }
0x57: {  	[dreg:$0x7] =	wrdreg s11;
	s0 =	sand.u32 $0x4000, s0  }
0x58: {  	[dreg:$0x6] =	wrdreg s10;
	s4 =	simm.s32 $0x1;
	v1 =	vmov s0  }
0x59: {  	s1 =	simm.s32 $0x0;
	_ =	swait.ge [sflag:s4], $0x4000  }
0x5a: {  	s2 =	sand.u32 $0x3000, s1;
	s3 =	sand.u32 $0x380, s1;
	s1 =	sand.u32 $0x180, s1  }
0x5b: {  	[sflag:s4] =	ssyncset.done $0x0;
	s17 =	sor.u32 s3, s2;
	s9 =	sor.u32 $0x8000, s0  }
0x5c: {  	[sflag:s4] =	ssyncadd.s32 $0xFFFFC000;
	s2 =	sand.u32 $0x3200, s17;
	s3 =	sor.u32 $0x410, s17  }
0x5d: {  	s10 =	sor.u32 s1, s2;
	v2 =	vld.idx.msk [tilespmem:v1+s3+$0x0 ss:$0x1], $0xffff;
	[dreg:$0xd] =	wrdreg s9  }
0x5e: {  	v0 =	vmov s9;
	s1 =	sor.u32 $0xC00, s10;
	v3 =	vld.idx.msk [tilespmem:v1+s10+$0x0 ss:$0x1], $0xffff  }
0x5f: {  	s2 =	sor.u32 $0x10, s10;
	v4 =	vld.idx.msk [tilespmem:v1+s1+$0x0 ss:$0x1], $0xffff  }
0x60: {  	s11 =	sor.u32 $0x20, s10;
	v5 =	vld.idx.msk [tilespmem:v1+s2+$0x0 ss:$0x1], $0xffff  }
0x61: {  	s5 =	sor.u32 $0x30, s10;
	v6 =	vld.idx.msk [tilespmem:v1+s11+$0x0 ss:$0x1], $0xffff  }
0x62: {  	s7 =	sor.u32 $0x40, s10;
	v7 =	vld.idx.msk [tilespmem:v1+s5+$0x0 ss:$0x1], $0xffff  }
0x63: {  	s28 =	sor.u32 $0x840, s17;
	v8 =	vld.idx.msk [tilespmem:v1+s7+$0x0 ss:$0x1], $0xffff;
	[tilespmem:v0+s3+$0x0 ss:$0x1] =	vst.idx.msk $0xffff, v2  }
0x64: {  	s8 =	sor.u32 $0x50, s10;
	v9 =	vld.idx.msk [tilespmem:v1+s28+$0x0 ss:$0x1], $0xffff;
	[tilespmem:v0+s10+$0x0 ss:$0x1] =	vst.idx.msk $0xffff, v3  }
0x65: {  	s12 =	sor.u32 $0x60, s10;
	v2 =	vld.idx.msk [tilespmem:v1+s8+$0x0 ss:$0x1], $0xffff;
	[tilespmem:v0+s1+$0x0 ss:$0x1] =	vst.idx.msk $0xffff, v4  }
0x66: {  	s18 =	sor.u32 $0x70, s10;
	v3 =	vld.idx.msk [tilespmem:v1+s12+$0x0 ss:$0x1], $0xffff;
	[tilespmem:v0+s2+$0x0 ss:$0x1] =	vst.idx.msk $0xffff, v5  }
0x67: {  	s13 =	sor.u32 $0x400, s10;
	v4 =	vld.idx.msk [tilespmem:v1+s18+$0x0 ss:$0x1], $0xffff;
	[tilespmem:v0+s11+$0x0 ss:$0x1] =	vst.idx.msk $0xffff, v6  }
0x68: {  	s0 =	sor.u32 $0x800, s10;
	v5 =	vld.idx.msk [tilespmem:v1+s13+$0x0 ss:$0x1], $0xffff;
	[tilespmem:v0+s5+$0x0 ss:$0x1] =	vst.idx.msk $0xffff, v7  }
0x69: {  	s14 =	sor.u32 $0x420, s17;
	v6 =	vld.idx.msk [tilespmem:v1+s0+$0x0 ss:$0x1], $0xffff;
	[tilespmem:v0+s7+$0x0 ss:$0x1] =	vst.idx.msk $0xffff, v8  }
0x6a: {  	s21 =	sor.u32 $0x470, s17;
	v7 =	vld.idx.msk [tilespmem:v1+s14+$0x0 ss:$0x1], $0xffff;
	[tilespmem:v0+s28+$0x0 ss:$0x1] =	vst.idx.msk $0xffff, v9  }
0x6b: {  	s15 =	sor.u32 $0x430, s17;
	v8 =	vld.idx.msk [tilespmem:v1+s21+$0x0 ss:$0x1], $0xffff;
	[tilespmem:v0+s8+$0x0 ss:$0x1] =	vst.idx.msk $0xffff, v2  }
0x6c: {  	s16 =	sor.u32 $0x440, s17;
	v2 =	vld.idx.msk [tilespmem:v1+s15+$0x0 ss:$0x1], $0xffff;
	[tilespmem:v0+s12+$0x0 ss:$0x1] =	vst.idx.msk $0xffff, v3  }
0x6d: {  	s19 =	sor.u32 $0x450, s17;
	v3 =	vld.idx.msk [tilespmem:v1+s16+$0x0 ss:$0x1], $0xffff;
	[tilespmem:v0+s18+$0x0 ss:$0x1] =	vst.idx.msk $0xffff, v4  }
0x6e: {  	s20 =	sor.u32 $0x460, s17;
	v4 =	vld.idx.msk [tilespmem:v1+s19+$0x0 ss:$0x1], $0xffff;
	[tilespmem:v0+s13+$0x0 ss:$0x1] =	vst.idx.msk $0xffff, v5  }
0x6f: {  	s22 =	sor.u32 $0x810, s17;
	v5 =	vld.idx.msk [tilespmem:v1+s20+$0x0 ss:$0x1], $0xffff;
	[tilespmem:v0+s0+$0x0 ss:$0x1] =	vst.idx.msk $0xffff, v6  }
0x70: {  	s30 =	sor.u32 $0x860, s17;
	[tilespmem:v0+s14+$0x0 ss:$0x1] =	vst.idx.msk $0xffff, v7;
	v6 =	vld.idx.msk [tilespmem:v1+s22+$0x0 ss:$0x1], $0xffff  }
0x71: {  	s23 =	sor.u32 $0x820, s17;
	[tilespmem:v0+s21+$0x0 ss:$0x1] =	vst.idx.msk $0xffff, v8;
	v8 =	vld.idx.msk [tilespmem:v1+s30+$0x0 ss:$0x1], $0xffff  }
0x72: {  	s27 =	sor.u32 $0x830, s17;
	[tilespmem:v0+s15+$0x0 ss:$0x1] =	vst.idx.msk $0xffff, v2;
	v2 =	vld.idx.msk [tilespmem:v1+s23+$0x0 ss:$0x1], $0xffff  }
0x73: {  	s26 =	sor.u32 $0x870, s17;
	[tilespmem:v0+s16+$0x0 ss:$0x1] =	vst.idx.msk $0xffff, v3;
	v3 =	vld.idx.msk [tilespmem:v1+s27+$0x0 ss:$0x1], $0xffff  }
0x74: {  	s29 =	sor.u32 $0x850, s17;
	v7 =	vld.idx.msk [tilespmem:v1+s26+$0x0 ss:$0x1], $0xffff;
	[tilespmem:v0+s19+$0x0 ss:$0x1] =	vst.idx.msk $0xffff, v4  }
0x75: {  	s25 =	sor.u32 $0xC10, s17;
	[tilespmem:v0+s20+$0x0 ss:$0x1] =	vst.idx.msk $0xffff, v5;
	v5 =	vld.idx.msk [tilespmem:v1+s29+$0x0 ss:$0x1], $0xffff  }
0x76: {  	s24 =	sor.u32 $0xC20, s17;
	[tilespmem:v0+s22+$0x0 ss:$0x1] =	vst.idx.msk $0xffff, v6;
	v6 =	vld.idx.msk [tilespmem:v1+s25+$0x0 ss:$0x1], $0xffff  }
0x77: {  	s22 =	sor.u32 $0xC30, s17;
	v4 =	vld.idx.msk [tilespmem:v1+s24+$0x0 ss:$0x1], $0xffff;
	[tilespmem:v0+s23+$0x0 ss:$0x1] =	vst.idx.msk $0xffff, v2  }
0x78: {  	s31 =	simm.s32 $0x200;
	s21 =	sor.u32 $0xC50, s17;
	s23 =	sor.u32 $0xC40, s17;
	[tilespmem:v0+s27+$0x0 ss:$0x1] =	vst.idx.msk $0xffff, v3;
	v3 =	vld.idx.msk [tilespmem:v1+s22+$0x0 ss:$0x1], $0xffff  }
0x79: {  	s18 =	sor.u32 $0xC70, s17;
	s20 =	sor.u32 $0xC60, s17;
	[tilespmem:v0+s30+$0x0 ss:$0x1] =	vst.idx.msk $0xffff, v8;
	s17 =	simm.s32 $0x80;
	v2 =	vld.idx.msk [tilespmem:v1+s23+$0x0 ss:$0x1], $0xffff  }
0x7a: {  	s0 =	sand.u32 $0x3000, s31;
	s19 =	simm.s32 $0x400;
	[tilespmem:v0+s29+$0x0 ss:$0x1] =	vst.idx.msk $0xffff, v5;
	s1 =	sand.u32 $0x380, s17;
	v5 =	vld.idx.msk [tilespmem:v1+s21+$0x0 ss:$0x1], $0xffff  }
.LBB1_3:
0x7b: {  	p0 =	sne.s32 s19, $0x3E00;
	s30 =	sor.u32 s1, s0;
	[tilespmem:v0+s26+$0x0 ss:$0x1] =	vst.idx.msk $0xffff, v7;
	v7 =	vld.idx.msk [tilespmem:v1+s20+$0x0 ss:$0x1], $0xffff  }
0x7c: {  	s0 =	sand.u32 $0x180, s17;
	s1 =	sand.u32 $0x3200, s30;
	s5 =	sor.u32 $0x410, s30;
	[tilespmem:v0+s25+$0x0 ss:$0x1] =	vst.idx.msk $0xffff, v6;
	v6 =	vld.idx.msk [tilespmem:v1+s18+$0x0 ss:$0x1], $0xffff  }
0x7d: {  	s28 =	sor.u32 $0x420, s30;
	s27 =	sor.u32 $0x430, s30;
	s0 =	sor.u32 s0, s1;
	v8 =	vld.idx.msk [tilespmem:v1+s5+$0x0 ss:$0x1], $0xffff;
	[tilespmem:v0+s24+$0x0 ss:$0x1] =	vst.idx.msk $0xffff, v4  }
0x7e: {  	v4 =	vld.idx.msk [tilespmem:v1+s0+$0x0 ss:$0x1], $0xffff;
	s16 =	sor.u32 $0x10, s0;
	s6 =	sor.u32 $0x20, s0;
	s24 =	sor.u32 $0xC00, s0;
	[tilespmem:v0+s22+$0x0 ss:$0x1] =	vst.idx.msk $0xffff, v3  }
0x7f: {  	s13 =	sor.u32 $0x30, s0;
	s15 =	sor.u32 $0x40, s0;
	s14 =	sor.u32 $0x50, s0;
	v3 =	vld.idx.msk [tilespmem:v1+s24+$0x0 ss:$0x1], $0xffff;
	[tilespmem:v0+s23+$0x0 ss:$0x1] =	vst.idx.msk $0xffff, v2  }
0x80: {  	s10 =	sor.u32 $0x60, s0;
	s11 =	sor.u32 $0x70, s0;
	s12 =	sor.u32 $0x400, s0;
	v2 =	vld.idx.msk [tilespmem:v1+s16+$0x0 ss:$0x1], $0xffff;
	[tilespmem:v0+s21+$0x0 ss:$0x1] =	vst.idx.msk $0xffff, v5  }
0x81: {  	s7 =	sor.u32 $0x440, s30;
	s2 =	sor.u32 $0x450, s30;
	s9 =	sor.u32 $0x800, s0;
	v5 =	vld.idx.msk [tilespmem:v1+s6+$0x0 ss:$0x1], $0xffff;
	[tilespmem:v0+s20+$0x0 ss:$0x1] =	vst.idx.msk $0xffff, v7  }
0x82: {  	s4 =	sor.u32 $0x460, s30;
	s3 =	sor.u32 $0x810, s30;
	s1 =	sor.u32 $0x470, s30;
	v7 =	vld.idx.msk [tilespmem:v1+s13+$0x0 ss:$0x1], $0xffff;
	[tilespmem:v0+s18+$0x0 ss:$0x1] =	vst.idx.msk $0xffff, v6  }
0x83: {  	s8 =	sor.u32 $0x830, s30;
	s31 =	sor.u32 $0x840, s30;
	v6 =	vld.idx.msk [tilespmem:v1+s15+$0x0 ss:$0x1], $0xffff;
	[tilespmem:v0+s5+$0x0 ss:$0x1] =	vst.idx.msk $0xffff, v8;
	s5 =	sor.u32 $0x820, s30  }
0x84: {  	s29 =	sor.u32 $0x860, s30;
	s26 =	sor.u32 $0x870, s30;
	[tilespmem:v0+s0+$0x0 ss:$0x1] =	vst.idx.msk $0xffff, v4;
	v4 =	vld.idx.msk [tilespmem:v1+s14+$0x0 ss:$0x1], $0xffff;
	s0 =	sor.u32 $0x850, s30  }
0x85: {  	s25 =	sor.u32 $0xC10, s30;
	s22 =	sor.u32 $0xC30, s30;
	v8 =	vld.idx.msk [tilespmem:v1+s10+$0x0 ss:$0x1], $0xffff;
	[tilespmem:v0+s24+$0x0 ss:$0x1] =	vst.idx.msk $0xffff, v3;
	s24 =	sor.u32 $0xC20, s30  }
0x86: {  	s23 =	sor.u32 $0xC40, s30;
	s21 =	sor.u32 $0xC50, s30;
	s20 =	sor.u32 $0xC60, s30;
	[tilespmem:v0+s16+$0x0 ss:$0x1] =	vst.idx.msk $0xffff, v2;
	v2 =	vld.idx.msk [tilespmem:v1+s11+$0x0 ss:$0x1], $0xffff  }
0x87: {  	s18 =	sor.u32 $0xC70, s30;
	[tilespmem:v0+s6+$0x0 ss:$0x1] =	vst.idx.msk $0xffff, v5;
	v3 =	vld.idx.msk [tilespmem:v1+s12+$0x0 ss:$0x1], $0xffff  }
0x88: {  	[tilespmem:v0+s13+$0x0 ss:$0x1] =	vst.idx.msk $0xffff, v7;
	v5 =	vld.idx.msk [tilespmem:v1+s9+$0x0 ss:$0x1], $0xffff  }
0x89: {  	[tilespmem:v0+s15+$0x0 ss:$0x1] =	vst.idx.msk $0xffff, v6;
	v6 =	vld.idx.msk [tilespmem:v1+s28+$0x0 ss:$0x1], $0xffff  }
0x8a: {  	[tilespmem:v0+s14+$0x0 ss:$0x1] =	vst.idx.msk $0xffff, v4;
	v4 =	vld.idx.msk [tilespmem:v1+s27+$0x0 ss:$0x1], $0xffff  }
0x8b: {  	[tilespmem:v0+s10+$0x0 ss:$0x1] =	vst.idx.msk $0xffff, v8;
	v7 =	vld.idx.msk [tilespmem:v1+s7+$0x0 ss:$0x1], $0xffff  }
0x8c: {  	[tilespmem:v0+s11+$0x0 ss:$0x1] =	vst.idx.msk $0xffff, v2;
	v2 =	vld.idx.msk [tilespmem:v1+s2+$0x0 ss:$0x1], $0xffff  }
0x8d: {  	[tilespmem:v0+s12+$0x0 ss:$0x1] =	vst.idx.msk $0xffff, v3;
	v3 =	vld.idx.msk [tilespmem:v1+s4+$0x0 ss:$0x1], $0xffff  }
0x8e: {  	v8 =	vld.idx.msk [tilespmem:v1+s1+$0x0 ss:$0x1], $0xffff;
	[tilespmem:v0+s9+$0x0 ss:$0x1] =	vst.idx.msk $0xffff, v5  }
0x8f: {  	[tilespmem:v0+s28+$0x0 ss:$0x1] =	vst.idx.msk $0xffff, v6;
	v5 =	vld.idx.msk [tilespmem:v1+s3+$0x0 ss:$0x1], $0xffff  }
0x90: {  	[tilespmem:v0+s27+$0x0 ss:$0x1] =	vst.idx.msk $0xffff, v4;
	v4 =	vld.idx.msk [tilespmem:v1+s5+$0x0 ss:$0x1], $0xffff  }
0x91: {  	[tilespmem:v0+s7+$0x0 ss:$0x1] =	vst.idx.msk $0xffff, v7;
	v9 =	vld.idx.msk [tilespmem:v1+s8+$0x0 ss:$0x1], $0xffff  }
0x92: {  	[tilespmem:v0+s2+$0x0 ss:$0x1] =	vst.idx.msk $0xffff, v2;
	v2 =	vld.idx.msk [tilespmem:v1+s31+$0x0 ss:$0x1], $0xffff  }
0x93: {  	[tilespmem:v0+s4+$0x0 ss:$0x1] =	vst.idx.msk $0xffff, v3;
	v10 =	vld.idx.msk [tilespmem:v1+s0+$0x0 ss:$0x1], $0xffff  }
0x94: {  	[tilespmem:v0+s1+$0x0 ss:$0x1] =	vst.idx.msk $0xffff, v8;
	v8 =	vld.idx.msk [tilespmem:v1+s29+$0x0 ss:$0x1], $0xffff  }
0x95: {  	[tilespmem:v0+s3+$0x0 ss:$0x1] =	vst.idx.msk $0xffff, v5;
	v7 =	vld.idx.msk [tilespmem:v1+s26+$0x0 ss:$0x1], $0xffff  }
.Ltmp3:
0x96: {  	[tilespmem:v0+s5+$0x0 ss:$0x1] =	vst.idx.msk $0xffff, v4;
	v6 =	vld.idx.msk [tilespmem:v1+s25+$0x0 ss:$0x1], $0xffff;
	(pc) =	sbr.rel @p0 .LBB1_3-.Ltmp3, $4  }
0x97: {  	[tilespmem:v0+s8+$0x0 ss:$0x1] =	vst.idx.msk $0xffff, v9;
	v4 =	vld.idx.msk [tilespmem:v1+s24+$0x0 ss:$0x1], $0xffff  }
0x98: {  	[tilespmem:v0+s31+$0x0 ss:$0x1] =	vst.idx.msk $0xffff, v2;
	v3 =	vld.idx.msk [tilespmem:v1+s22+$0x0 ss:$0x1], $0xffff  }
0x99: {  	s17 =	sadd.s32 $0x80, s17;
	[tilespmem:v0+s0+$0x0 ss:$0x1] =	vst.idx.msk $0xffff, v10;
	v2 =	vld.idx.msk [tilespmem:v1+s23+$0x0 ss:$0x1], $0xffff  }
0x9a: {  	s1 =	sand.u32 $0x380, s17;
	s0 =	sand.u32 $0x3000, s19;
	s19 =	sadd.s32 $0x200, s19;
	[tilespmem:v0+s29+$0x0 ss:$0x1] =	vst.idx.msk $0xffff, v8;
	v5 =	vld.idx.msk [tilespmem:v1+s21+$0x0 ss:$0x1], $0xffff  }
.Ltmp4:
0x9b: {  	_ = 	snop;
	(pc) =	sbr.rel .LBB1_4-.Ltmp4, $1  }
0x9c: {  	_ =	sdelay $0x3  }
.LBB1_6:
0x9d: {  	_ =	sfence.sel $0x180000  }
0x9e: {  	s0 =	simm.s32 $0x1;
	[bflag:$0x0] =	sbarrier.arrive $0xFFFF  }
0x9f: {  	s31 =	simm.s32 $0x2;
	[sflag:s0] =	ssyncpa.u1 $0x1  }
0xa0: {  	[sflag:s31] =	ssyncpa.u1 $0x1  }
0xa1: {  	_ =	strace $0x90000053  }
0xa2: {  	[bflag:$0x2] =	sbarrier.arrive $0xFFFF  }
0xa3: {  	p0 =	sne.s32 s5, $0x0;
	s0 =	rddreg [dreg:$0x2]  }
0xa4: {  	s0 =	sadd.s32 @!p0 $0x100000, s0  }
0xa5: {  	[sflag:s0] =	ssyncadd.tile.s32 @!p0 $0x1;
	_ =	shalt  }
.Lfunc_end1:
_tile_overlayer_lowered:
.L_overlay_start_2:
0xa6: {  	(tag) =	ssettag $0x2  }
0xa7: {  	s0 =	rddreg [dreg:$0x0];
	s2 =	stileid.u32  }
0xa8: {  	s1 =	rddreg [dreg:$0x1];
	p0 =	sne.s32 s2, $0x0  }
0xa9: {  	s3 =	rddreg [dreg:$0x2];
	[bflag:$0x3] =	sbarrier.arrive $0xFFFF;
	s2 =	simm.s32 @!p0 $0x1C01  }
0xaa: {  	[timem:s3], [sflag:s2] =	dma.local @!p0 [hbm:s0], s1  }
0xab: {  	s0 =	simm.s32 @!p0 $0x1  }
0xac: {  	_ =	swait.ge @!p0 [sflag:s0], s1  }
0xad: {  	s1 =	ssub.s32 @!p0 $0x0, s1;
	[sflag:s0] =	ssyncset.done @!p0 $0x0  }
0xae: {  	[sflag:s0] =	ssyncadd.s32 @!p0 s1  }
0xaf: {  	[bflag:$0x3] =	sbarrier.arrive $0xFFFF  }
0xb0: {  	_ =	shalt  }

</sc_bundles>
